<compile_context>
chip_gen: v7x
topology: tpu7x:2x2x1
jax: 0.10.2.dev20260603
libtpu: 0.0.44.dev20260713+nightly
codegen_flags: <defaults>
</compile_context>

<pallas_src>
import functools

import jax
import jax.numpy as jnp
from jax import lax
from jax.experimental import pallas as pl
from jax.experimental.pallas import tpu as pltpu
from jax.experimental.pallas import tpu_sc as plsc

VOCAB_ = 100000
HIDDEN_ = 128
CPAD = 4
NPAIR = 2
SEQ_ = 200
BATCH_ = 4096

NC, NS, LANES = 2, 16, 16
UNROLL = 8
GPC = 4


def _tc_body(e_ref, wt_ref, ids_ref, out_ref, ids3_ref):
    r = lax.dot_general(
        wt_ref[...], e_ref[...],
        dimension_numbers=(((1,), (1,)), ((), ())),
        preferred_element_type=jnp.float32,
    )
    u = lax.bitcast_convert_type(r.astype(jnp.bfloat16), jnp.uint16)
    u = u.astype(jnp.uint32).reshape(NPAIR, 2, r.shape[1])
    packed = u[:, 0, :] | (u[:, 1, :] << 16)
    out_ref[...] = lax.bitcast_convert_type(packed, jnp.int32)
    blk = ids_ref[...]
    g = blk.shape[0] // LANES
    ids3_ref[...] = (blk.reshape(g, LANES, SEQ_)
                     .transpose(0, 2, 1)
                     .reshape(g, SEQ_ * LANES))


def _project_pack_regroup(embedding, wst, ids):
    bv = 6272
    grid = pl.cdiv(VOCAB_, bv)
    bb = BATCH_ // grid
    return pl.pallas_call(
        _tc_body,
        grid=(grid,),
        in_specs=[
            pl.BlockSpec((bv, HIDDEN_), lambda i: (i, 0)),
            pl.BlockSpec((CPAD, HIDDEN_), lambda i: (0, 0)),
            pl.BlockSpec((bb, SEQ_), lambda i: (i, 0)),
        ],
        out_specs=[
            pl.BlockSpec((NPAIR, bv), lambda i: (0, i)),
            pl.BlockSpec((bb // LANES, SEQ_ * LANES), lambda i: (i, 0)),
        ],
        out_shape=[
            jax.ShapeDtypeStruct((NPAIR, VOCAB_), jnp.int32),
            jax.ShapeDtypeStruct((BATCH_ // LANES, SEQ_ * LANES), jnp.int32),
        ],
    )(embedding, wst, ids)


def _sc_body(ewt_hbm, ids_hbm, out_hbm, tab_v, ids_v0, ids_v1, res_v,
             sem0, sem1):
    nslice = NC * NS // NPAIR
    b_per_w = BATCH_ // nslice
    groups = b_per_w // LANES
    himask = jnp.int32(-65536)

    wid = lax.axis_index("s") * NC + lax.axis_index("c")
    pair = wid // nslice
    sl = wid % nslice
    gbase = sl * groups

    pltpu.sync_copy(ewt_hbm.at[pair], tab_v)

    chunks = groups // GPC

    def fetch(cidx, buf, sem):
        src = ids_hbm.at[pl.ds(gbase + cidx * GPC, GPC), :]
        pltpu.make_async_copy(src, buf, sem).start()

    def drain(buf, sem):
        src = ids_hbm.at[pl.ds(0, GPC), :]
        pltpu.make_async_copy(src, buf, sem).wait()

    def accumulate(ids_v, g_local, g_abs):
        zero = jnp.zeros((LANES,), jnp.float32)

        def seq_body(t, accs):
            lo0, lo1, hi0, hi1 = accs
            for j in range(UNROLL):
                iv = ids_v[g_local, pl.ds((t * UNROLL + j) * LANES, LANES)]
                w = plsc.load_gather(tab_v, [iv])
                lo = plsc.bitcast(w << 16, jnp.float32)
                hi = plsc.bitcast(w & himask, jnp.float32)
                if j % 2 == 0:
                    lo0 = lo0 + lo
                    hi0 = hi0 + hi
                else:
                    lo1 = lo1 + lo
                    hi1 = hi1 + hi
            return lo0, lo1, hi0, hi1

        lo0, lo1, hi0, hi1 = lax.fori_loop(0, SEQ_ // UNROLL, seq_body,
                                           (zero,) * 4)
        res_v[0, pl.ds(g_abs * LANES, LANES)] = lo0 + lo1
        res_v[1, pl.ds(g_abs * LANES, LANES)] = hi0 + hi1

    fetch(0, ids_v0, sem0)

    def chunk_pair(c2, _):
        c = 2 * c2
        drain(ids_v0, sem0)
        fetch(lax.rem(c + 1, chunks), ids_v1, sem1)
        for g in range(GPC):
            accumulate(ids_v0, g, c * GPC + g)
        drain(ids_v1, sem1)
        fetch(lax.rem(c + 2, chunks), ids_v0, sem0)
        for g in range(GPC):
            accumulate(ids_v1, g, (c + 1) * GPC + g)
        return 0

    lax.fori_loop(0, chunks // 2, chunk_pair, 0)
    drain(ids_v0, sem0)

    pltpu.sync_copy(res_v, out_hbm.at[pair, :, pl.ds(sl * b_per_w, b_per_w)])


_sc_gather_sum = functools.partial(
    pl.kernel,
    out_type=jax.ShapeDtypeStruct((NPAIR, 2, BATCH_), jnp.float32),
    mesh=plsc.VectorSubcoreMesh(core_axis_name="c", subcore_axis_name="s"),
    compiler_params=pltpu.CompilerParams(needs_layout_passes=False),
    scratch_types=[
        pltpu.VMEM((VOCAB_,), jnp.int32),
        pltpu.VMEM((GPC, SEQ_ * LANES), jnp.int32),
        pltpu.VMEM((GPC, SEQ_ * LANES), jnp.int32),
        pltpu.VMEM((2, BATCH_ // (NC * NS // NPAIR)), jnp.float32),
        pltpu.SemaphoreType.DMA,
        pltpu.SemaphoreType.DMA,
    ],
)(_sc_body)


def kernel(input_ids, embedding, W, b):
    ids = input_ids.astype(jnp.int32)
    wst = jnp.pad((W / SEQ_).astype(jnp.float32).T,
                  ((0, CPAD - W.shape[1]), (0, 0)))
    ewt, ids3 = _project_pack_regroup(embedding, wst, ids)
    sums = _sc_gather_sum(ewt, ids3)
    return sums.reshape(CPAD, BATCH_)[: W.shape[1]].T + b

# --- scband reference (transcript-rebuilt; emitter-appended) ---
"""Pipeline reference for scband-simple-model-8564164788714 (READ-ONLY COPY).

The authoritative reference and input builder live on the scoring server;
editing this copy changes nothing except your own understanding.
"""

import jax, jax.numpy as jnp
import numpy as np

VOCAB = 100000
HIDDEN = 128
NUM_CLASSES = 3
BATCH = 4096
SEQ = 200

def setup_inputs(seed: int = 0) -> dict:
    key = jax.random.key(seed)
    k1, k2, k3, k4 = jax.random.split(key, 4)
    input_ids = jax.random.randint(k1, (BATCH, SEQ), 0, VOCAB, dtype=jnp.int64 if jax.config.jax_enable_x64 else jnp.int32)
    embedding = jax.random.normal(k2, (VOCAB, HIDDEN), dtype=jnp.float32)
    # torch Linear default init: U(-1/sqrt(fan_in), 1/sqrt(fan_in))
    bound = 1.0 / np.sqrt(HIDDEN)
    W = jax.random.uniform(k3, (HIDDEN, NUM_CLASSES), minval=-bound, maxval=bound, dtype=jnp.float32)
    b = jax.random.uniform(k4, (NUM_CLASSES,), minval=-bound, maxval=bound, dtype=jnp.float32)
    return {"input_ids": input_ids, "embedding": embedding, "W": W, "b": b}

def reference(input_ids, embedding, W, b):
    # embedding lookup (gather)
    embeddings = jnp.take(embedding, input_ids, axis=0)  # [B, S, H]
    # mean pool over sequence dim
    pooled = embeddings.mean(axis=1)  # [B, H]
    # dropout is identity in eval/inference
    logits = pooled @ W + b  # [B, num_classes]
    return logits

if __name__ == "__main__":
    import jax
    _d = setup_inputs()
    print(jax.jit(kernel)(*tuple(_d.values())))

</pallas_src>

<mosaic_0001>
#map = affine_map<(d0, d1) -> (0, 0)>
#map1 = affine_map<(d0, d1) -> (0, 0, 0)>
module attributes {stable_mosaic.version = 14 : i64} {
  func.func @_sc_body(%arg0: i32, %arg1: i32, %arg2: memref<2x100000xi32, #tpu.memory_space<hbm>>, %arg3: memref<256x3200xi32, #tpu.memory_space<hbm>>, %arg4: memref<2x2x4096xf32, #tpu.memory_space<hbm>>, %arg5: memref<100000xi32, #tpu.memory_space<vmem>>, %arg6: memref<4x3200xi32, #tpu.memory_space<vmem>>, %arg7: memref<4x3200xi32, #tpu.memory_space<vmem>>, %arg8: memref<2x256xf32, #tpu.memory_space<vmem>>, %arg9: memref<!tpu.dma_semaphore, #tpu.memory_space<semaphore_mem>>, %arg10: memref<!tpu.dma_semaphore, #tpu.memory_space<semaphore_mem>>) attributes {dimension_semantics = [#tpu.dimension_semantics<core_parallel>, #tpu.dimension_semantics<subcore_parallel>], iteration_bounds = array<i64: 2, 16>, scalar_prefetch = 0 : i64, scratch_operands = 6 : i64, tpu.core_type = #tpu.core_type<sc_vector_subcore>, window_params = [{transform_indices = #map}, {transform_indices = #map}, {transform_indices = #map1}]} {
    %mul3A = arith.constant 2 : i32
    %mul3A_0 = arith.muli %arg1, %mul3A : i32
    %add3A = arith.addi %mul3A_0, %arg0 : i32
    %jit3A = arith.constant 16 : i32
    %div3A = arith.divsi %add3A, %jit3A : i32
    %sign3A = arith.constant 0 : i32
    %sign3A_1 = arith.cmpi sgt, %add3A, %sign3A : i32
    %sign3A_2 = arith.extui %sign3A_1 : i1 to i32
    %sign3A_3 = arith.constant 0 : i32
    %sign3A_4 = arith.cmpi slt, %add3A, %sign3A_3 : i32
    %sign3A_5 = arith.extui %sign3A_4 : i1 to i32
    %sign3A_6 = arith.subi %sign3A_2, %sign3A_5 : i32
    %sign3A_7 = arith.constant 0 : i32
    %sign3A_8 = arith.cmpi sgt, %jit3A, %sign3A_7 : i32
    %sign3A_9 = arith.extui %sign3A_8 : i1 to i32
    %sign3A_10 = arith.constant 0 : i32
    %sign3A_11 = arith.cmpi slt, %jit3A, %sign3A_10 : i32
    %sign3A_12 = arith.extui %sign3A_11 : i1 to i32
    %sign3A_13 = arith.subi %sign3A_9, %sign3A_12 : i32
    %ne3A = arith.cmpi ne, %sign3A_6, %sign3A_13 : i32
    %rem3A = arith.remsi %add3A, %jit3A : i32
    %ne3A_14 = arith.constant 0 : i32
    %ne3A_15 = arith.cmpi ne, %rem3A, %ne3A_14 : i32
    %and3A = arith.andi %ne3A, %ne3A_15 : i1
    %sub3A = arith.constant 1 : i32
    %sub3A_16 = arith.subi %div3A, %sub3A : i32
    %select_n3A = arith.select %and3A, %sub3A_16, %div3A : i32
    %jit3A_17 = arith.constant 16 : i32
    %eq3A = arith.constant 0 : i32
    %eq3A_18 = arith.cmpi eq, %jit3A_17, %eq3A : i32
    %jit3A_19 = arith.constant 1 : i32
    %select_n3A_20 = arith.select %eq3A_18, %jit3A_19, %jit3A_17 : i32
    %rem3A_21 = arith.remsi %add3A, %select_n3A_20 : i32
    %ne3A_22 = arith.constant 0 : i32
    %ne3A_23 = arith.cmpi ne, %rem3A_21, %ne3A_22 : i32
    %lt3A = arith.constant 0 : i32
    %lt3A_24 = arith.cmpi slt, %rem3A_21, %lt3A : i32
    %lt3A_25 = arith.constant 0 : i32
    %lt3A_26 = arith.cmpi slt, %select_n3A_20, %lt3A_25 : i32
    %ne3A_27 = arith.xori %lt3A_24, %lt3A_26 : i1
    %and3A_28 = arith.andi %ne3A_27, %ne3A_23 : i1
    %add3A_29 = arith.addi %rem3A_21, %select_n3A_20 : i32
    %select_n3A_30 = arith.select %and3A_28, %add3A_29, %rem3A_21 : i32
    %mul3A_31 = arith.constant 16 : i32
    %mul3A_32 = arith.muli %select_n3A_30, %mul3A_31 : i32
    "tpu.region"() ({
      %run_scoped3A = tpu.sem_alloc : memref<!tpu.dma_semaphore, #tpu.memory_space<semaphore_mem>>
      %dma_start3A_52 = arith.constant 0 : i32
      %dma_start3A_53 = tpu.memref_slice %arg2[%select_n3A, %dma_start3A_52] : memref<2x100000xi32, #tpu.memory_space<hbm>> -> memref<1x100000xi32, #tpu.memory_space<hbm>>
      %dma_start3A_54 = tpu.memref_squeeze %dma_start3A_53 : memref<1x100000xi32, #tpu.memory_space<hbm>> -> memref<100000xi32, #tpu.memory_space<hbm>>
      %dma_start3A_55 = arith.constant 0 : i32
      %dma_start3A_56 = tpu.memref_slice %arg2[%select_n3A, %dma_start3A_55] : memref<2x100000xi32, #tpu.memory_space<hbm>> -> memref<1x100000xi32, #tpu.memory_space<hbm>>
      %dma_start3A_57 = tpu.memref_squeeze %dma_start3A_56 : memref<1x100000xi32, #tpu.memory_space<hbm>> -> memref<100000xi32, #tpu.memory_space<hbm>>
      tpu.enqueue_dma source(%dma_start3A_57 : memref<100000xi32, #tpu.memory_space<hbm>>) target(%arg5 : memref<100000xi32, #tpu.memory_space<vmem>>) target_semaphore(%run_scoped3A : memref<!tpu.dma_semaphore, #tpu.memory_space<semaphore_mem>>)
      %dma_wait3A_58 = arith.constant 0 : i32
      %dma_wait3A_59 = tpu.memref_slice %arg2[%select_n3A, %dma_wait3A_58] : memref<2x100000xi32, #tpu.memory_space<hbm>> -> memref<1x100000xi32, #tpu.memory_space<hbm>>
      %dma_wait3A_60 = tpu.memref_squeeze %dma_wait3A_59 : memref<1x100000xi32, #tpu.memory_space<hbm>> -> memref<100000xi32, #tpu.memory_space<hbm>>
      %dma_wait3A_61 = arith.constant 0 : i32
      %dma_wait3A_62 = tpu.memref_slice %arg2[%select_n3A, %dma_wait3A_61] : memref<2x100000xi32, #tpu.memory_space<hbm>> -> memref<1x100000xi32, #tpu.memory_space<hbm>>
      %dma_wait3A_63 = tpu.memref_squeeze %dma_wait3A_62 : memref<1x100000xi32, #tpu.memory_space<hbm>> -> memref<100000xi32, #tpu.memory_space<hbm>>
      tpu.wait_dma2 semaphore(%run_scoped3A : memref<!tpu.dma_semaphore, #tpu.memory_space<semaphore_mem>>) src(%dma_wait3A_63 : memref<100000xi32, #tpu.memory_space<hbm>>) dst(%arg5 : memref<100000xi32, #tpu.memory_space<vmem>>)
      tpu.yield
    }) : () -> ()
    %add3A_33 = arith.constant 0 : i32
    %add3A_34 = arith.addi %mul3A_32, %add3A_33 : i32
    %dma_start3A = arith.constant 0 : i32
    %dma_start3A_35 = tpu.memref_slice %arg3[%add3A_34, %dma_start3A] : memref<256x3200xi32, #tpu.memory_space<hbm>> -> memref<4x3200xi32, #tpu.memory_space<hbm>>
    %dma_start3A_36 = arith.constant 0 : i32
    %dma_start3A_37 = tpu.memref_slice %arg3[%add3A_34, %dma_start3A_36] : memref<256x3200xi32, #tpu.memory_space<hbm>> -> memref<4x3200xi32, #tpu.memory_space<hbm>>
    tpu.enqueue_dma source(%dma_start3A_37 : memref<4x3200xi32, #tpu.memory_space<hbm>>) target(%arg6 : memref<4x3200xi32, #tpu.memory_space<vmem>>) target_semaphore(%arg9 : memref<!tpu.dma_semaphore, #tpu.memory_space<semaphore_mem>>)
    %scan3A = arith.constant -65536 : i32
    %scan3A_38 = arith.constant 0 : i32
    %scan3A_39 = arith.constant 0 : i32
    %scan3A_40 = arith.constant 2 : i32
    %scan3A_41 = arith.addi %scan3A_39, %scan3A_40 : i32
    %scan3A_42 = arith.constant 1 : i32
    %scan3A_43 = scf.for %scan3A_52 = %scan3A_39 to %scan3A_41 step %scan3A_42 iter_args(%scan3A_53 = %scan3A_38) -> (i32)  : i32 {
      %mul3A_54 = arith.constant 2 : i32
      %mul3A_55 = arith.muli %mul3A_54, %scan3A_52 : i32
      %dma_wait3A_56 = arith.constant 0 : i32
      %dma_wait3A_57 = arith.constant 0 : i32
      %dma_wait3A_58 = tpu.memref_slice %arg3[%dma_wait3A_56, %dma_wait3A_57] : memref<256x3200xi32, #tpu.memory_space<hbm>> -> memref<4x3200xi32, #tpu.memory_space<hbm>>
      %dma_wait3A_59 = arith.constant 0 : i32
      %dma_wait3A_60 = arith.constant 0 : i32
      %dma_wait3A_61 = tpu.memref_slice %arg3[%dma_wait3A_59, %dma_wait3A_60] : memref<256x3200xi32, #tpu.memory_space<hbm>> -> memref<4x3200xi32, #tpu.memory_space<hbm>>
      tpu.wait_dma2 semaphore(%arg9 : memref<!tpu.dma_semaphore, #tpu.memory_space<semaphore_mem>>) src(%dma_wait3A_61 : memref<4x3200xi32, #tpu.memory_space<hbm>>) dst(%arg6 : memref<4x3200xi32, #tpu.memory_space<vmem>>)
      %add3A_62 = arith.constant 1 : i32
      %add3A_63 = arith.addi %mul3A_55, %add3A_62 : i32
      %rem3A_64 = arith.constant 4 : i32
      %rem3A_65 = arith.remsi %add3A_63, %rem3A_64 : i32
      %mul3A_66 = arith.constant 4 : i32
      %mul3A_67 = arith.muli %rem3A_65, %mul3A_66 : i32
      %add3A_68 = arith.addi %mul3A_32, %mul3A_67 : i32
      %dma_start3A_69 = arith.constant 0 : i32
      %dma_start3A_70 = tpu.memref_slice %arg3[%add3A_68, %dma_start3A_69] : memref<256x3200xi32, #tpu.memory_space<hbm>> -> memref<4x3200xi32, #tpu.memory_space<hbm>>
      %dma_start3A_71 = arith.constant 0 : i32
      %dma_start3A_72 = tpu.memref_slice %arg3[%add3A_68, %dma_start3A_71] : memref<256x3200xi32, #tpu.memory_space<hbm>> -> memref<4x3200xi32, #tpu.memory_space<hbm>>
      tpu.enqueue_dma source(%dma_start3A_72 : memref<4x3200xi32, #tpu.memory_space<hbm>>) target(%arg7 : memref<4x3200xi32, #tpu.memory_space<vmem>>) target_semaphore(%arg10 : memref<!tpu.dma_semaphore, #tpu.memory_space<semaphore_mem>>)
      %mul3A_73 = arith.constant 4 : i32
      %mul3A_74 = arith.muli %mul3A_55, %mul3A_73 : i32
      %add3A_75 = arith.constant 0 : i32
      %add3A_76 = arith.addi %mul3A_74, %add3A_75 : i32
      %broadcast_in_dim3A = arith.constant 0.000000e+00 : f32
      %broadcast_in_dim3A_77 = vector.broadcast %broadcast_in_dim3A : f32 to vector<16xf32>
      %scan3A_78 = arith.constant 0 : i32
      %scan3A_79 = arith.constant 25 : i32
      %scan3A_80 = arith.addi %scan3A_78, %scan3A_79 : i32
      %scan3A_81 = arith.constant 1 : i32
      %scan3A_82:4 = scf.for %scan3A_305 = %scan3A_78 to %scan3A_80 step %scan3A_81 iter_args(%scan3A_306 = %broadcast_in_dim3A_77, %scan3A_307 = %broadcast_in_dim3A_77, %scan3A_308 = %broadcast_in_dim3A_77, %scan3A_309 = %broadcast_in_dim3A_77) -> (vector<16xf32>, vector<16xf32>, vector<16xf32>, vector<16xf32>)  : i32 {
        %mul3A_310 = arith.constant 8 : i32
        %mul3A_311 = arith.muli %scan3A_305, %mul3A_310 : i32
        %add3A_312 = arith.constant 0 : i32
        %add3A_313 = arith.addi %mul3A_311, %add3A_312 : i32
        %mul3A_314 = arith.constant 16 : i32
        %mul3A_315 = arith.muli %add3A_313, %mul3A_314 : i32
        %get3A = arith.constant 0 : i32
        %get3A_316 = arith.index_cast %get3A : i32 to index
        %get3A_317 = arith.index_cast %mul3A_315 : i32 to index
        %get3A_318 = tpu.vector_load %arg6[%get3A_316, %get3A_317] {strides = array<i32>} : memref<4x3200xi32, #tpu.memory_space<vmem>>, vector<16xi32>,
        %gather3A = tpu.vector_load_idx %arg5[%get3A_318] : memref<100000xi32, #tpu.memory_space<vmem>>[vector<16xi32>], vector<16xi32>,
        %shift_left3A = arith.constant 16 : i32
        %shift_left3A_319 = vector.broadcast %shift_left3A : i32 to vector<16xi32>
        %shift_left3A_320 = arith.shli %gather3A, %shift_left3A_319 : vector<16xi32>
        %bitcast3A = vector.bitcast %shift_left3A_320 : vector<16xi32> to vector<16xf32>
        %and3A_321 = vector.broadcast %scan3A : i32 to vector<16xi32>
        %and3A_322 = arith.andi %gather3A, %and3A_321 : vector<16xi32>
        %bitcast3A_323 = vector.bitcast %and3A_322 : vector<16xi32> to vector<16xf32>
        %add3A_324 = arith.addf %scan3A_306, %bitcast3A : vector<16xf32>
        %add3A_325 = arith.addf %scan3A_308, %bitcast3A_323 : vector<16xf32>
        %mul3A_326 = arith.constant 8 : i32
        %mul3A_327 = arith.muli %scan3A_305, %mul3A_326 : i32
        %add3A_328 = arith.constant 1 : i32
        %add3A_329 = arith.addi %mul3A_327, %add3A_328 : i32
        %mul3A_330 = arith.constant 16 : i32
        %mul3A_331 = arith.muli %add3A_329, %mul3A_330 : i32
        %get3A_332 = arith.constant 0 : i32
        %get3A_333 = arith.index_cast %get3A_332 : i32 to index
        %get3A_334 = arith.index_cast %mul3A_331 : i32 to index
        %get3A_335 = tpu.vector_load %arg6[%get3A_333, %get3A_334] {strides = array<i32>} : memref<4x3200xi32, #tpu.memory_space<vmem>>, vector<16xi32>,
        %gather3A_336 = tpu.vector_load_idx %arg5[%get3A_335] : memref<100000xi32, #tpu.memory_space<vmem>>[vector<16xi32>], vector<16xi32>,
        %shift_left3A_337 = arith.constant 16 : i32
        %shift_left3A_338 = vector.broadcast %shift_left3A_337 : i32 to vector<16xi32>
        %shift_left3A_339 = arith.shli %gather3A_336, %shift_left3A_338 : vector<16xi32>
        %bitcast3A_340 = vector.bitcast %shift_left3A_339 : vector<16xi32> to vector<16xf32>
        %and3A_341 = vector.broadcast %scan3A : i32 to vector<16xi32>
        %and3A_342 = arith.andi %gather3A_336, %and3A_341 : vector<16xi32>
        %bitcast3A_343 = vector.bitcast %and3A_342 : vector<16xi32> to vector<16xf32>
        %add3A_344 = arith.addf %scan3A_307, %bitcast3A_340 : vector<16xf32>
        %add3A_345 = arith.addf %scan3A_309, %bitcast3A_343 : vector<16xf32>
        %mul3A_346 = arith.constant 8 : i32
        %mul3A_347 = arith.muli %scan3A_305, %mul3A_346 : i32
        %add3A_348 = arith.constant 2 : i32
        %add3A_349 = arith.addi %mul3A_347, %add3A_348 : i32
        %mul3A_350 = arith.constant 16 : i32
        %mul3A_351 = arith.muli %add3A_349, %mul3A_350 : i32
        %get3A_352 = arith.constant 0 : i32
        %get3A_353 = arith.index_cast %get3A_352 : i32 to index
        %get3A_354 = arith.index_cast %mul3A_351 : i32 to index
        %get3A_355 = tpu.vector_load %arg6[%get3A_353, %get3A_354] {strides = array<i32>} : memref<4x3200xi32, #tpu.memory_space<vmem>>, vector<16xi32>,
        %gather3A_356 = tpu.vector_load_idx %arg5[%get3A_355] : memref<100000xi32, #tpu.memory_space<vmem>>[vector<16xi32>], vector<16xi32>,
        %shift_left3A_357 = arith.constant 16 : i32
        %shift_left3A_358 = vector.broadcast %shift_left3A_357 : i32 to vector<16xi32>
        %shift_left3A_359 = arith.shli %gather3A_356, %shift_left3A_358 : vector<16xi32>
        %bitcast3A_360 = vector.bitcast %shift_left3A_359 : vector<16xi32> to vector<16xf32>
        %and3A_361 = vector.broadcast %scan3A : i32 to vector<16xi32>
        %and3A_362 = arith.andi %gather3A_356, %and3A_361 : vector<16xi32>
        %bitcast3A_363 = vector.bitcast %and3A_362 : vector<16xi32> to vector<16xf32>
        %add3A_364 = arith.addf %add3A_324, %bitcast3A_360 : vector<16xf32>
        %add3A_365 = arith.addf %add3A_325, %bitcast3A_363 : vector<16xf32>
        %mul3A_366 = arith.constant 8 : i32
        %mul3A_367 = arith.muli %scan3A_305, %mul3A_366 : i32
        %add3A_368 = arith.constant 3 : i32
        %add3A_369 = arith.addi %mul3A_367, %add3A_368 : i32
        %mul3A_370 = arith.constant 16 : i32
        %mul3A_371 = arith.muli %add3A_369, %mul3A_370 : i32
        %get3A_372 = arith.constant 0 : i32
        %get3A_373 = arith.index_cast %get3A_372 : i32 to index
        %get3A_374 = arith.index_cast %mul3A_371 : i32 to index
        %get3A_375 = tpu.vector_load %arg6[%get3A_373, %get3A_374] {strides = array<i32>} : memref<4x3200xi32, #tpu.memory_space<vmem>>, vector<16xi32>,
        %gather3A_376 = tpu.vector_load_idx %arg5[%get3A_375] : memref<100000xi32, #tpu.memory_space<vmem>>[vector<16xi32>], vector<16xi32>,
        %shift_left3A_377 = arith.constant 16 : i32
        %shift_left3A_378 = vector.broadcast %shift_left3A_377 : i32 to vector<16xi32>
        %shift_left3A_379 = arith.shli %gather3A_376, %shift_left3A_378 : vector<16xi32>
        %bitcast3A_380 = vector.bitcast %shift_left3A_379 : vector<16xi32> to vector<16xf32>
        %and3A_381 = vector.broadcast %scan3A : i32 to vector<16xi32>
        %and3A_382 = arith.andi %gather3A_376, %and3A_381 : vector<16xi32>
        %bitcast3A_383 = vector.bitcast %and3A_382 : vector<16xi32> to vector<16xf32>
        %add3A_384 = arith.addf %add3A_344, %bitcast3A_380 : vector<16xf32>
        %add3A_385 = arith.addf %add3A_345, %bitcast3A_383 : vector<16xf32>
        %mul3A_386 = arith.constant 8 : i32
        %mul3A_387 = arith.muli %scan3A_305, %mul3A_386 : i32
        %add3A_388 = arith.constant 4 : i32
        %add3A_389 = arith.addi %mul3A_387, %add3A_388 : i32
        %mul3A_390 = arith.constant 16 : i32
        %mul3A_391 = arith.muli %add3A_389, %mul3A_390 : i32
        %get3A_392 = arith.constant 0 : i32
        %get3A_393 = arith.index_cast %get3A_392 : i32 to index
        %get3A_394 = arith.index_cast %mul3A_391 : i32 to index
        %get3A_395 = tpu.vector_load %arg6[%get3A_393, %get3A_394] {strides = array<i32>} : memref<4x3200xi32, #tpu.memory_space<vmem>>, vector<16xi32>,
        %gather3A_396 = tpu.vector_load_idx %arg5[%get3A_395] : memref<100000xi32, #tpu.memory_space<vmem>>[vector<16xi32>], vector<16xi32>,
        %shift_left3A_397 = arith.constant 16 : i32
        %shift_left3A_398 = vector.broadcast %shift_left3A_397 : i32 to vector<16xi32>
        %shift_left3A_399 = arith.shli %gather3A_396, %shift_left3A_398 : vector<16xi32>
        %bitcast3A_400 = vector.bitcast %shift_left3A_399 : vector<16xi32> to vector<16xf32>
        %and3A_401 = vector.broadcast %scan3A : i32 to vector<16xi32>
        %and3A_402 = arith.andi %gather3A_396, %and3A_401 : vector<16xi32>
        %bitcast3A_403 = vector.bitcast %and3A_402 : vector<16xi32> to vector<16xf32>
        %add3A_404 = arith.addf %add3A_364, %bitcast3A_400 : vector<16xf32>
        %add3A_405 = arith.addf %add3A_365, %bitcast3A_403 : vector<16xf32>
        %mul3A_406 = arith.constant 8 : i32
        %mul3A_407 = arith.muli %scan3A_305, %mul3A_406 : i32
        %add3A_408 = arith.constant 5 : i32
        %add3A_409 = arith.addi %mul3A_407, %add3A_408 : i32
        %mul3A_410 = arith.constant 16 : i32
        %mul3A_411 = arith.muli %add3A_409, %mul3A_410 : i32
        %get3A_412 = arith.constant 0 : i32
        %get3A_413 = arith.index_cast %get3A_412 : i32 to index
        %get3A_414 = arith.index_cast %mul3A_411 : i32 to index
        %get3A_415 = tpu.vector_load %arg6[%get3A_413, %get3A_414] {strides = array<i32>} : memref<4x3200xi32, #tpu.memory_space<vmem>>, vector<16xi32>,
        %gather3A_416 = tpu.vector_load_idx %arg5[%get3A_415] : memref<100000xi32, #tpu.memory_space<vmem>>[vector<16xi32>], vector<16xi32>,
        %shift_left3A_417 = arith.constant 16 : i32
        %shift_left3A_418 = vector.broadcast %shift_left3A_417 : i32 to vector<16xi32>
        %shift_left3A_419 = arith.shli %gather3A_416, %shift_left3A_418 : vector<16xi32>
        %bitcast3A_420 = vector.bitcast %shift_left3A_419 : vector<16xi32> to vector<16xf32>
        %and3A_421 = vector.broadcast %scan3A : i32 to vector<16xi32>
        %and3A_422 = arith.andi %gather3A_416, %and3A_421 : vector<16xi32>
        %bitcast3A_423 = vector.bitcast %and3A_422 : vector<16xi32> to vector<16xf32>
        %add3A_424 = arith.addf %add3A_384, %bitcast3A_420 : vector<16xf32>
        %add3A_425 = arith.addf %add3A_385, %bitcast3A_423 : vector<16xf32>
        %mul3A_426 = arith.constant 8 : i32
        %mul3A_427 = arith.muli %scan3A_305, %mul3A_426 : i32
        %add3A_428 = arith.constant 6 : i32
        %add3A_429 = arith.addi %mul3A_427, %add3A_428 : i32
        %mul3A_430 = arith.constant 16 : i32
        %mul3A_431 = arith.muli %add3A_429, %mul3A_430 : i32
        %get3A_432 = arith.constant 0 : i32
        %get3A_433 = arith.index_cast %get3A_432 : i32 to index
        %get3A_434 = arith.index_cast %mul3A_431 : i32 to index
        %get3A_435 = tpu.vector_load %arg6[%get3A_433, %get3A_434] {strides = array<i32>} : memref<4x3200xi32, #tpu.memory_space<vmem>>, vector<16xi32>,
        %gather3A_436 = tpu.vector_load_idx %arg5[%get3A_435] : memref<100000xi32, #tpu.memory_space<vmem>>[vector<16xi32>], vector<16xi32>,
        %shift_left3A_437 = arith.constant 16 : i32
        %shift_left3A_438 = vector.broadcast %shift_left3A_437 : i32 to vector<16xi32>
        %shift_left3A_439 = arith.shli %gather3A_436, %shift_left3A_438 : vector<16xi32>
        %bitcast3A_440 = vector.bitcast %shift_left3A_439 : vector<16xi32> to vector<16xf32>
        %and3A_441 = vector.broadcast %scan3A : i32 to vector<16xi32>
        %and3A_442 = arith.andi %gather3A_436, %and3A_441 : vector<16xi32>
        %bitcast3A_443 = vector.bitcast %and3A_442 : vector<16xi32> to vector<16xf32>
        %add3A_444 = arith.addf %add3A_404, %bitcast3A_440 : vector<16xf32>
        %add3A_445 = arith.addf %add3A_405, %bitcast3A_443 : vector<16xf32>
        %mul3A_446 = arith.constant 8 : i32
        %mul3A_447 = arith.muli %scan3A_305, %mul3A_446 : i32
        %add3A_448 = arith.constant 7 : i32
        %add3A_449 = arith.addi %mul3A_447, %add3A_448 : i32
        %mul3A_450 = arith.constant 16 : i32
        %mul3A_451 = arith.muli %add3A_449, %mul3A_450 : i32
        %get3A_452 = arith.constant 0 : i32
        %get3A_453 = arith.index_cast %get3A_452 : i32 to index
        %get3A_454 = arith.index_cast %mul3A_451 : i32 to index
        %get3A_455 = tpu.vector_load %arg6[%get3A_453, %get3A_454] {strides = array<i32>} : memref<4x3200xi32, #tpu.memory_space<vmem>>, vector<16xi32>,
        %gather3A_456 = tpu.vector_load_idx %arg5[%get3A_455] : memref<100000xi32, #tpu.memory_space<vmem>>[vector<16xi32>], vector<16xi32>,
        %shift_left3A_457 = arith.constant 16 : i32
        %shift_left3A_458 = vector.broadcast %shift_left3A_457 : i32 to vector<16xi32>
        %shift_left3A_459 = arith.shli %gather3A_456, %shift_left3A_458 : vector<16xi32>
        %bitcast3A_460 = vector.bitcast %shift_left3A_459 : vector<16xi32> to vector<16xf32>
        %and3A_461 = vector.broadcast %scan3A : i32 to vector<16xi32>
        %and3A_462 = arith.andi %gather3A_456, %and3A_461 : vector<16xi32>
        %bitcast3A_463 = vector.bitcast %and3A_462 : vector<16xi32> to vector<16xf32>
        %add3A_464 = arith.addf %add3A_424, %bitcast3A_460 : vector<16xf32>
        %add3A_465 = arith.addf %add3A_425, %bitcast3A_463 : vector<16xf32>
        scf.yield %add3A_444, %add3A_464, %add3A_445, %add3A_465 : vector<16xf32>, vector<16xf32>, vector<16xf32>, vector<16xf32>
      }
      %scan3A_83 = arith.constant 25 : i32
      %add3A_84 = arith.addf %scan3A_82#0, %scan3A_82#1 : vector<16xf32>
      %mul3A_85 = arith.constant 16 : i32
      %mul3A_86 = arith.muli %add3A_76, %mul3A_85 : i32
      %swap3A = arith.constant 0 : i32
      %swap3A_87 = arith.index_cast %swap3A : i32 to index
      %swap3A_88 = arith.index_cast %mul3A_86 : i32 to index
      %swap3A_89 = tpu.vector_load %arg8[%swap3A_87, %swap3A_88] {strides = array<i32>} : memref<2x256xf32, #tpu.memory_space<vmem>>, vector<16xf32>,
      tpu.vector_store %arg8[%swap3A_87, %swap3A_88], %add3A_84 {strides = array<i32>} : memref<2x256xf32, #tpu.memory_space<vmem>>, vector<16xf32>,
      %add3A_90 = arith.addf %scan3A_82#2, %scan3A_82#3 : vector<16xf32>
      %mul3A_91 = arith.constant 16 : i32
      %mul3A_92 = arith.muli %add3A_76, %mul3A_91 : i32
      %swap3A_93 = arith.constant 1 : i32
      %swap3A_94 = arith.index_cast %swap3A_93 : i32 to index
      %swap3A_95 = arith.index_cast %mul3A_92 : i32 to index
      %swap3A_96 = tpu.vector_load %arg8[%swap3A_94, %swap3A_95] {strides = array<i32>} : memref<2x256xf32, #tpu.memory_space<vmem>>, vector<16xf32>,
      tpu.vector_store %arg8[%swap3A_94, %swap3A_95], %add3A_90 {strides = array<i32>} : memref<2x256xf32, #tpu.memory_space<vmem>>, vector<16xf32>,
      %mul3A_97 = arith.constant 4 : i32
      %mul3A_98 = arith.muli %mul3A_55, %mul3A_97 : i32
      %add3A_99 = arith.constant 1 : i32
      %add3A_100 = arith.addi %mul3A_98, %add3A_99 : i32
      %broadcast_in_dim3A_101 = arith.constant 0.000000e+00 : f32
      %broadcast_in_dim3A_102 = vector.broadcast %broadcast_in_dim3A_101 : f32 to vector<16xf32>
      %scan3A_103 = arith.constant 0 : i32
      %scan3A_104 = arith.constant 25 : i32
      %scan3A_105 = arith.addi %scan3A_103, %scan3A_104 : i32
      %scan3A_106 = arith.constant 1 : i32
      %scan3A_107:4 = scf.for %scan3A_305 = %scan3A_103 to %scan3A_105 step %scan3A_106 iter_args(%scan3A_306 = %broadcast_in_dim3A_102, %scan3A_307 = %broadcast_in_dim3A_102, %scan3A_308 = %broadcast_in_dim3A_102, %scan3A_309 = %broadcast_in_dim3A_102) -> (vector<16xf32>, vector<16xf32>, vector<16xf32>, vector<16xf32>)  : i32 {
        %mul3A_310 = arith.constant 8 : i32
        %mul3A_311 = arith.muli %scan3A_305, %mul3A_310 : i32
        %add3A_312 = arith.constant 0 : i32
        %add3A_313 = arith.addi %mul3A_311, %add3A_312 : i32
        %mul3A_314 = arith.constant 16 : i32
        %mul3A_315 = arith.muli %add3A_313, %mul3A_314 : i32
        %get3A = arith.constant 1 : i32
        %get3A_316 = arith.index_cast %get3A : i32 to index
        %get3A_317 = arith.index_cast %mul3A_315 : i32 to index
        %get3A_318 = tpu.vector_load %arg6[%get3A_316, %get3A_317] {strides = array<i32>} : memref<4x3200xi32, #tpu.memory_space<vmem>>, vector<16xi32>,
        %gather3A = tpu.vector_load_idx %arg5[%get3A_318] : memref<100000xi32, #tpu.memory_space<vmem>>[vector<16xi32>], vector<16xi32>,
        %shift_left3A = arith.constant 16 : i32
        %shift_left3A_319 = vector.broadcast %shift_left3A : i32 to vector<16xi32>
        %shift_left3A_320 = arith.shli %gather3A, %shift_left3A_319 : vector<16xi32>
        %bitcast3A = vector.bitcast %shift_left3A_320 : vector<16xi32> to vector<16xf32>
        %and3A_321 = vector.broadcast %scan3A : i32 to vector<16xi32>
        %and3A_322 = arith.andi %gather3A, %and3A_321 : vector<16xi32>
        %bitcast3A_323 = vector.bitcast %and3A_322 : vector<16xi32> to vector<16xf32>
        %add3A_324 = arith.addf %scan3A_306, %bitcast3A : vector<16xf32>
        %add3A_325 = arith.addf %scan3A_308, %bitcast3A_323 : vector<16xf32>
        %mul3A_326 = arith.constant 8 : i32
        %mul3A_327 = arith.muli %scan3A_305, %mul3A_326 : i32
        %add3A_328 = arith.constant 1 : i32
        %add3A_329 = arith.addi %mul3A_327, %add3A_328 : i32
        %mul3A_330 = arith.constant 16 : i32
        %mul3A_331 = arith.muli %add3A_329, %mul3A_330 : i32
        %get3A_332 = arith.constant 1 : i32
        %get3A_333 = arith.index_cast %get3A_332 : i32 to index
        %get3A_334 = arith.index_cast %mul3A_331 : i32 to index
        %get3A_335 = tpu.vector_load %arg6[%get3A_333, %get3A_334] {strides = array<i32>} : memref<4x3200xi32, #tpu.memory_space<vmem>>, vector<16xi32>,
        %gather3A_336 = tpu.vector_load_idx %arg5[%get3A_335] : memref<100000xi32, #tpu.memory_space<vmem>>[vector<16xi32>], vector<16xi32>,
        %shift_left3A_337 = arith.constant 16 : i32
        %shift_left3A_338 = vector.broadcast %shift_left3A_337 : i32 to vector<16xi32>
        %shift_left3A_339 = arith.shli %gather3A_336, %shift_left3A_338 : vector<16xi32>
        %bitcast3A_340 = vector.bitcast %shift_left3A_339 : vector<16xi32> to vector<16xf32>
        %and3A_341 = vector.broadcast %scan3A : i32 to vector<16xi32>
        %and3A_342 = arith.andi %gather3A_336, %and3A_341 : vector<16xi32>
        %bitcast3A_343 = vector.bitcast %and3A_342 : vector<16xi32> to vector<16xf32>
        %add3A_344 = arith.addf %scan3A_307, %bitcast3A_340 : vector<16xf32>
        %add3A_345 = arith.addf %scan3A_309, %bitcast3A_343 : vector<16xf32>
        %mul3A_346 = arith.constant 8 : i32
        %mul3A_347 = arith.muli %scan3A_305, %mul3A_346 : i32
        %add3A_348 = arith.constant 2 : i32
        %add3A_349 = arith.addi %mul3A_347, %add3A_348 : i32
        %mul3A_350 = arith.constant 16 : i32
        %mul3A_351 = arith.muli %add3A_349, %mul3A_350 : i32
        %get3A_352 = arith.constant 1 : i32
        %get3A_353 = arith.index_cast %get3A_352 : i32 to index
        %get3A_354 = arith.index_cast %mul3A_351 : i32 to index
        %get3A_355 = tpu.vector_load %arg6[%get3A_353, %get3A_354] {strides = array<i32>} : memref<4x3200xi32, #tpu.memory_space<vmem>>, vector<16xi32>,
        %gather3A_356 = tpu.vector_load_idx %arg5[%get3A_355] : memref<100000xi32, #tpu.memory_space<vmem>>[vector<16xi32>], vector<16xi32>,
        %shift_left3A_357 = arith.constant 16 : i32
        %shift_left3A_358 = vector.broadcast %shift_left3A_357 : i32 to vector<16xi32>
        %shift_left3A_359 = arith.shli %gather3A_356, %shift_left3A_358 : vector<16xi32>
        %bitcast3A_360 = vector.bitcast %shift_left3A_359 : vector<16xi32> to vector<16xf32>
        %and3A_361 = vector.broadcast %scan3A : i32 to vector<16xi32>
        %and3A_362 = arith.andi %gather3A_356, %and3A_361 : vector<16xi32>
        %bitcast3A_363 = vector.bitcast %and3A_362 : vector<16xi32> to vector<16xf32>
        %add3A_364 = arith.addf %add3A_324, %bitcast3A_360 : vector<16xf32>
        %add3A_365 = arith.addf %add3A_325, %bitcast3A_363 : vector<16xf32>
        %mul3A_366 = arith.constant 8 : i32
        %mul3A_367 = arith.muli %scan3A_305, %mul3A_366 : i32
        %add3A_368 = arith.constant 3 : i32
        %add3A_369 = arith.addi %mul3A_367, %add3A_368 : i32
        %mul3A_370 = arith.constant 16 : i32
        %mul3A_371 = arith.muli %add3A_369, %mul3A_370 : i32
        %get3A_372 = arith.constant 1 : i32
        %get3A_373 = arith.index_cast %get3A_372 : i32 to index
        %get3A_374 = arith.index_cast %mul3A_371 : i32 to index
        %get3A_375 = tpu.vector_load %arg6[%get3A_373, %get3A_374] {strides = array<i32>} : memref<4x3200xi32, #tpu.memory_space<vmem>>, vector<16xi32>,
        %gather3A_376 = tpu.vector_load_idx %arg5[%get3A_375] : memref<100000xi32, #tpu.memory_space<vmem>>[vector<16xi32>], vector<16xi32>,
        %shift_left3A_377 = arith.constant 16 : i32
        %shift_left3A_378 = vector.broadcast %shift_left3A_377 : i32 to vector<16xi32>
        %shift_left3A_379 = arith.shli %gather3A_376, %shift_left3A_378 : vector<16xi32>
        %bitcast3A_380 = vector.bitcast %shift_left3A_379 : vector<16xi32> to vector<16xf32>
        %and3A_381 = vector.broadcast %scan3A : i32 to vector<16xi32>
        %and3A_382 = arith.andi %gather3A_376, %and3A_381 : vector<16xi32>
        %bitcast3A_383 = vector.bitcast %and3A_382 : vector<16xi32> to vector<16xf32>
        %add3A_384 = arith.addf %add3A_344, %bitcast3A_380 : vector<16xf32>
        %add3A_385 = arith.addf %add3A_345, %bitcast3A_383 : vector<16xf32>
        %mul3A_386 = arith.constant 8 : i32
        %mul3A_387 = arith.muli %scan3A_305, %mul3A_386 : i32
        %add3A_388 = arith.constant 4 : i32
        %add3A_389 = arith.addi %mul3A_387, %add3A_388 : i32
        %mul3A_390 = arith.constant 16 : i32
        %mul3A_391 = arith.muli %add3A_389, %mul3A_390 : i32
        %get3A_392 = arith.constant 1 : i32
        %get3A_393 = arith.index_cast %get3A_392 : i32 to index
        %get3A_394 = arith.index_cast %mul3A_391 : i32 to index
        %get3A_395 = tpu.vector_load %arg6[%get3A_393, %get3A_394] {strides = array<i32>} : memref<4x3200xi32, #tpu.memory_space<vmem>>, vector<16xi32>,
        %gather3A_396 = tpu.vector_load_idx %arg5[%get3A_395] : memref<100000xi32, #tpu.memory_space<vmem>>[vector<16xi32>], vector<16xi32>,
        %shift_left3A_397 = arith.constant 16 : i32
        %shift_left3A_398 = vector.broadcast %shift_left3A_397 : i32 to vector<16xi32>
        %shift_left3A_399 = arith.shli %gather3A_396, %shift_left3A_398 : vector<16xi32>
        %bitcast3A_400 = vector.bitcast %shift_left3A_399 : vector<16xi32> to vector<16xf32>
        %and3A_401 = vector.broadcast %scan3A : i32 to vector<16xi32>
        %and3A_402 = arith.andi %gather3A_396, %and3A_401 : vector<16xi32>
        %bitcast3A_403 = vector.bitcast %and3A_402 : vector<16xi32> to vector<16xf32>
        %add3A_404 = arith.addf %add3A_364, %bitcast3A_400 : vector<16xf32>
        %add3A_405 = arith.addf %add3A_365, %bitcast3A_403 : vector<16xf32>
        %mul3A_406 = arith.constant 8 : i32
        %mul3A_407 = arith.muli %scan3A_305, %mul3A_406 : i32
        %add3A_408 = arith.constant 5 : i32
        %add3A_409 = arith.addi %mul3A_407, %add3A_408 : i32
        %mul3A_410 = arith.constant 16 : i32
        %mul3A_411 = arith.muli %add3A_409, %mul3A_410 : i32
        %get3A_412 = arith.constant 1 : i32
        %get3A_413 = arith.index_cast %get3A_412 : i32 to index
        %get3A_414 = arith.index_cast %mul3A_411 : i32 to index
        %get3A_415 = tpu.vector_load %arg6[%get3A_413, %get3A_414] {strides = array<i32>} : memref<4x3200xi32, #tpu.memory_space<vmem>>, vector<16xi32>,
        %gather3A_416 = tpu.vector_load_idx %arg5[%get3A_415] : memref<100000xi32, #tpu.memory_space<vmem>>[vector<16xi32>], vector<16xi32>,
        %shift_left3A_417 = arith.constant 16 : i32
        %shift_left3A_418 = vector.broadcast %shift_left3A_417 : i32 to vector<16xi32>
        %shift_left3A_419 = arith.shli %gather3A_416, %shift_left3A_418 : vector<16xi32>
        %bitcast3A_420 = vector.bitcast %shift_left3A_419 : vector<16xi32> to vector<16xf32>
        %and3A_421 = vector.broadcast %scan3A : i32 to vector<16xi32>
        %and3A_422 = arith.andi %gather3A_416, %and3A_421 : vector<16xi32>
        %bitcast3A_423 = vector.bitcast %and3A_422 : vector<16xi32> to vector<16xf32>
        %add3A_424 = arith.addf %add3A_384, %bitcast3A_420 : vector<16xf32>
        %add3A_425 = arith.addf %add3A_385, %bitcast3A_423 : vector<16xf32>
        %mul3A_426 = arith.constant 8 : i32
        %mul3A_427 = arith.muli %scan3A_305, %mul3A_426 : i32
        %add3A_428 = arith.constant 6 : i32
        %add3A_429 = arith.addi %mul3A_427, %add3A_428 : i32
        %mul3A_430 = arith.constant 16 : i32
        %mul3A_431 = arith.muli %add3A_429, %mul3A_430 : i32
        %get3A_432 = arith.constant 1 : i32
        %get3A_433 = arith.index_cast %get3A_432 : i32 to index
        %get3A_434 = arith.index_cast %mul3A_431 : i32 to index
        %get3A_435 = tpu.vector_load %arg6[%get3A_433, %get3A_434] {strides = array<i32>} : memref<4x3200xi32, #tpu.memory_space<vmem>>, vector<16xi32>,
        %gather3A_436 = tpu.vector_load_idx %arg5[%get3A_435] : memref<100000xi32, #tpu.memory_space<vmem>>[vector<16xi32>], vector<16xi32>,
        %shift_left3A_437 = arith.constant 16 : i32
        %shift_left3A_438 = vector.broadcast %shift_left3A_437 : i32 to vector<16xi32>
        %shift_left3A_439 = arith.shli %gather3A_436, %shift_left3A_438 : vector<16xi32>
        %bitcast3A_440 = vector.bitcast %shift_left3A_439 : vector<16xi32> to vector<16xf32>
        %and3A_441 = vector.broadcast %scan3A : i32 to vector<16xi32>
        %and3A_442 = arith.andi %gather3A_436, %and3A_441 : vector<16xi32>
        %bitcast3A_443 = vector.bitcast %and3A_442 : vector<16xi32> to vector<16xf32>
        %add3A_444 = arith.addf %add3A_404, %bitcast3A_440 : vector<16xf32>
        %add3A_445 = arith.addf %add3A_405, %bitcast3A_443 : vector<16xf32>
        %mul3A_446 = arith.constant 8 : i32
        %mul3A_447 = arith.muli %scan3A_305, %mul3A_446 : i32
        %add3A_448 = arith.constant 7 : i32
        %add3A_449 = arith.addi %mul3A_447, %add3A_448 : i32
        %mul3A_450 = arith.constant 16 : i32
        %mul3A_451 = arith.muli %add3A_449, %mul3A_450 : i32
        %get3A_452 = arith.constant 1 : i32
        %get3A_453 = arith.index_cast %get3A_452 : i32 to index
        %get3A_454 = arith.index_cast %mul3A_451 : i32 to index
        %get3A_455 = tpu.vector_load %arg6[%get3A_453, %get3A_454] {strides = array<i32>} : memref<4x3200xi32, #tpu.memory_space<vmem>>, vector<16xi32>,
        %gather3A_456 = tpu.vector_load_idx %arg5[%get3A_455] : memref<100000xi32, #tpu.memory_space<vmem>>[vector<16xi32>], vector<16xi32>,
        %shift_left3A_457 = arith.constant 16 : i32
        %shift_left3A_458 = vector.broadcast %shift_left3A_457 : i32 to vector<16xi32>
        %shift_left3A_459 = arith.shli %gather3A_456, %shift_left3A_458 : vector<16xi32>
        %bitcast3A_460 = vector.bitcast %shift_left3A_459 : vector<16xi32> to vector<16xf32>
        %and3A_461 = vector.broadcast %scan3A : i32 to vector<16xi32>
        %and3A_462 = arith.andi %gather3A_456, %and3A_461 : vector<16xi32>
        %bitcast3A_463 = vector.bitcast %and3A_462 : vector<16xi32> to vector<16xf32>
        %add3A_464 = arith.addf %add3A_424, %bitcast3A_460 : vector<16xf32>
        %add3A_465 = arith.addf %add3A_425, %bitcast3A_463 : vector<16xf32>
        scf.yield %add3A_444, %add3A_464, %add3A_445, %add3A_465 : vector<16xf32>, vector<16xf32>, vector<16xf32>, vector<16xf32>
      }
      %scan3A_108 = arith.constant 25 : i32
      %add3A_109 = arith.addf %scan3A_107#0, %scan3A_107#1 : vector<16xf32>
      %mul3A_110 = arith.constant 16 : i32
      %mul3A_111 = arith.muli %add3A_100, %mul3A_110 : i32
      %swap3A_112 = arith.constant 0 : i32
      %swap3A_113 = arith.index_cast %swap3A_112 : i32 to index
      %swap3A_114 = arith.index_cast %mul3A_111 : i32 to index
      %swap3A_115 = tpu.vector_load %arg8[%swap3A_113, %swap3A_114] {strides = array<i32>} : memref<2x256xf32, #tpu.memory_space<vmem>>, vector<16xf32>,
      tpu.vector_store %arg8[%swap3A_113, %swap3A_114], %add3A_109 {strides = array<i32>} : memref<2x256xf32, #tpu.memory_space<vmem>>, vector<16xf32>,
      %add3A_116 = arith.addf %scan3A_107#2, %scan3A_107#3 : vector<16xf32>
      %mul3A_117 = arith.constant 16 : i32
      %mul3A_118 = arith.muli %add3A_100, %mul3A_117 : i32
      %swap3A_119 = arith.constant 1 : i32
      %swap3A_120 = arith.index_cast %swap3A_119 : i32 to index
      %swap3A_121 = arith.index_cast %mul3A_118 : i32 to index
      %swap3A_122 = tpu.vector_load %arg8[%swap3A_120, %swap3A_121] {strides = array<i32>} : memref<2x256xf32, #tpu.memory_space<vmem>>, vector<16xf32>,
      tpu.vector_store %arg8[%swap3A_120, %swap3A_121], %add3A_116 {strides = array<i32>} : memref<2x256xf32, #tpu.memory_space<vmem>>, vector<16xf32>,
      %mul3A_123 = arith.constant 4 : i32
      %mul3A_124 = arith.muli %mul3A_55, %mul3A_123 : i32
      %add3A_125 = arith.constant 2 : i32
      %add3A_126 = arith.addi %mul3A_124, %add3A_125 : i32
      %broadcast_in_dim3A_127 = arith.constant 0.000000e+00 : f32
      %broadcast_in_dim3A_128 = vector.broadcast %broadcast_in_dim3A_127 : f32 to vector<16xf32>
      %scan3A_129 = arith.constant 0 : i32
      %scan3A_130 = arith.constant 25 : i32
      %scan3A_131 = arith.addi %scan3A_129, %scan3A_130 : i32
      %scan3A_132 = arith.constant 1 : i32
      %scan3A_133:4 = scf.for %scan3A_305 = %scan3A_129 to %scan3A_131 step %scan3A_132 iter_args(%scan3A_306 = %broadcast_in_dim3A_128, %scan3A_307 = %broadcast_in_dim3A_128, %scan3A_308 = %broadcast_in_dim3A_128, %scan3A_309 = %broadcast_in_dim3A_128) -> (vector<16xf32>, vector<16xf32>, vector<16xf32>, vector<16xf32>)  : i32 {
        %mul3A_310 = arith.constant 8 : i32
        %mul3A_311 = arith.muli %scan3A_305, %mul3A_310 : i32
        %add3A_312 = arith.constant 0 : i32
        %add3A_313 = arith.addi %mul3A_311, %add3A_312 : i32
        %mul3A_314 = arith.constant 16 : i32
        %mul3A_315 = arith.muli %add3A_313, %mul3A_314 : i32
        %get3A = arith.constant 2 : i32
        %get3A_316 = arith.index_cast %get3A : i32 to index
        %get3A_317 = arith.index_cast %mul3A_315 : i32 to index
        %get3A_318 = tpu.vector_load %arg6[%get3A_316, %get3A_317] {strides = array<i32>} : memref<4x3200xi32, #tpu.memory_space<vmem>>, vector<16xi32>,
        %gather3A = tpu.vector_load_idx %arg5[%get3A_318] : memref<100000xi32, #tpu.memory_space<vmem>>[vector<16xi32>], vector<16xi32>,
        %shift_left3A = arith.constant 16 : i32
        %shift_left3A_319 = vector.broadcast %shift_left3A : i32 to vector<16xi32>
        %shift_left3A_320 = arith.shli %gather3A, %shift_left3A_319 : vector<16xi32>
        %bitcast3A = vector.bitcast %shift_left3A_320 : vector<16xi32> to vector<16xf32>
        %and3A_321 = vector.broadcast %scan3A : i32 to vector<16xi32>
        %and3A_322 = arith.andi %gather3A, %and3A_321 : vector<16xi32>
        %bitcast3A_323 = vector.bitcast %and3A_322 : vector<16xi32> to vector<16xf32>
        %add3A_324 = arith.addf %scan3A_306, %bitcast3A : vector<16xf32>
        %add3A_325 = arith.addf %scan3A_308, %bitcast3A_323 : vector<16xf32>
        %mul3A_326 = arith.constant 8 : i32
        %mul3A_327 = arith.muli %scan3A_305, %mul3A_326 : i32
        %add3A_328 = arith.constant 1 : i32
        %add3A_329 = arith.addi %mul3A_327, %add3A_328 : i32
        %mul3A_330 = arith.constant 16 : i32
        %mul3A_331 = arith.muli %add3A_329, %mul3A_330 : i32
        %get3A_332 = arith.constant 2 : i32
        %get3A_333 = arith.index_cast %get3A_332 : i32 to index
        %get3A_334 = arith.index_cast %mul3A_331 : i32 to index
        %get3A_335 = tpu.vector_load %arg6[%get3A_333, %get3A_334] {strides = array<i32>} : memref<4x3200xi32, #tpu.memory_space<vmem>>, vector<16xi32>,
        %gather3A_336 = tpu.vector_load_idx %arg5[%get3A_335] : memref<100000xi32, #tpu.memory_space<vmem>>[vector<16xi32>], vector<16xi32>,
        %shift_left3A_337 = arith.constant 16 : i32
        %shift_left3A_338 = vector.broadcast %shift_left3A_337 : i32 to vector<16xi32>
        %shift_left3A_339 = arith.shli %gather3A_336, %shift_left3A_338 : vector<16xi32>
        %bitcast3A_340 = vector.bitcast %shift_left3A_339 : vector<16xi32> to vector<16xf32>
        %and3A_341 = vector.broadcast %scan3A : i32 to vector<16xi32>
        %and3A_342 = arith.andi %gather3A_336, %and3A_341 : vector<16xi32>
        %bitcast3A_343 = vector.bitcast %and3A_342 : vector<16xi32> to vector<16xf32>
        %add3A_344 = arith.addf %scan3A_307, %bitcast3A_340 : vector<16xf32>
        %add3A_345 = arith.addf %scan3A_309, %bitcast3A_343 : vector<16xf32>
        %mul3A_346 = arith.constant 8 : i32
        %mul3A_347 = arith.muli %scan3A_305, %mul3A_346 : i32
        %add3A_348 = arith.constant 2 : i32
        %add3A_349 = arith.addi %mul3A_347, %add3A_348 : i32
        %mul3A_350 = arith.constant 16 : i32
        %mul3A_351 = arith.muli %add3A_349, %mul3A_350 : i32
        %get3A_352 = arith.constant 2 : i32
        %get3A_353 = arith.index_cast %get3A_352 : i32 to index
        %get3A_354 = arith.index_cast %mul3A_351 : i32 to index
        %get3A_355 = tpu.vector_load %arg6[%get3A_353, %get3A_354] {strides = array<i32>} : memref<4x3200xi32, #tpu.memory_space<vmem>>, vector<16xi32>,
        %gather3A_356 = tpu.vector_load_idx %arg5[%get3A_355] : memref<100000xi32, #tpu.memory_space<vmem>>[vector<16xi32>], vector<16xi32>,
        %shift_left3A_357 = arith.constant 16 : i32
        %shift_left3A_358 = vector.broadcast %shift_left3A_357 : i32 to vector<16xi32>
        %shift_left3A_359 = arith.shli %gather3A_356, %shift_left3A_358 : vector<16xi32>
        %bitcast3A_360 = vector.bitcast %shift_left3A_359 : vector<16xi32> to vector<16xf32>
        %and3A_361 = vector.broadcast %scan3A : i32 to vector<16xi32>
        %and3A_362 = arith.andi %gather3A_356, %and3A_361 : vector<16xi32>
        %bitcast3A_363 = vector.bitcast %and3A_362 : vector<16xi32> to vector<16xf32>
        %add3A_364 = arith.addf %add3A_324, %bitcast3A_360 : vector<16xf32>
        %add3A_365 = arith.addf %add3A_325, %bitcast3A_363 : vector<16xf32>
        %mul3A_366 = arith.constant 8 : i32
        %mul3A_367 = arith.muli %scan3A_305, %mul3A_366 : i32
        %add3A_368 = arith.constant 3 : i32
        %add3A_369 = arith.addi %mul3A_367, %add3A_368 : i32
        %mul3A_370 = arith.constant 16 : i32
        %mul3A_371 = arith.muli %add3A_369, %mul3A_370 : i32
        %get3A_372 = arith.constant 2 : i32
        %get3A_373 = arith.index_cast %get3A_372 : i32 to index
        %get3A_374 = arith.index_cast %mul3A_371 : i32 to index
        %get3A_375 = tpu.vector_load %arg6[%get3A_373, %get3A_374] {strides = array<i32>} : memref<4x3200xi32, #tpu.memory_space<vmem>>, vector<16xi32>,
        %gather3A_376 = tpu.vector_load_idx %arg5[%get3A_375] : memref<100000xi32, #tpu.memory_space<vmem>>[vector<16xi32>], vector<16xi32>,
        %shift_left3A_377 = arith.constant 16 : i32
        %shift_left3A_378 = vector.broadcast %shift_left3A_377 : i32 to vector<16xi32>
        %shift_left3A_379 = arith.shli %gather3A_376, %shift_left3A_378 : vector<16xi32>
        %bitcast3A_380 = vector.bitcast %shift_left3A_379 : vector<16xi32> to vector<16xf32>
        %and3A_381 = vector.broadcast %scan3A : i32 to vector<16xi32>
        %and3A_382 = arith.andi %gather3A_376, %and3A_381 : vector<16xi32>
        %bitcast3A_383 = vector.bitcast %and3A_382 : vector<16xi32> to vector<16xf32>
        %add3A_384 = arith.addf %add3A_344, %bitcast3A_380 : vector<16xf32>
        %add3A_385 = arith.addf %add3A_345, %bitcast3A_383 : vector<16xf32>
        %mul3A_386 = arith.constant 8 : i32
        %mul3A_387 = arith.muli %scan3A_305, %mul3A_386 : i32
        %add3A_388 = arith.constant 4 : i32
        %add3A_389 = arith.addi %mul3A_387, %add3A_388 : i32
        %mul3A_390 = arith.constant 16 : i32
        %mul3A_391 = arith.muli %add3A_389, %mul3A_390 : i32
        %get3A_392 = arith.constant 2 : i32
        %get3A_393 = arith.index_cast %get3A_392 : i32 to index
        %get3A_394 = arith.index_cast %mul3A_391 : i32 to index
        %get3A_395 = tpu.vector_load %arg6[%get3A_393, %get3A_394] {strides = array<i32>} : memref<4x3200xi32, #tpu.memory_space<vmem>>, vector<16xi32>,
        %gather3A_396 = tpu.vector_load_idx %arg5[%get3A_395] : memref<100000xi32, #tpu.memory_space<vmem>>[vector<16xi32>], vector<16xi32>,
        %shift_left3A_397 = arith.constant 16 : i32
        %shift_left3A_398 = vector.broadcast %shift_left3A_397 : i32 to vector<16xi32>
        %shift_left3A_399 = arith.shli %gather3A_396, %shift_left3A_398 : vector<16xi32>
        %bitcast3A_400 = vector.bitcast %shift_left3A_399 : vector<16xi32> to vector<16xf32>
        %and3A_401 = vector.broadcast %scan3A : i32 to vector<16xi32>
        %and3A_402 = arith.andi %gather3A_396, %and3A_401 : vector<16xi32>
        %bitcast3A_403 = vector.bitcast %and3A_402 : vector<16xi32> to vector<16xf32>
        %add3A_404 = arith.addf %add3A_364, %bitcast3A_400 : vector<16xf32>
        %add3A_405 = arith.addf %add3A_365, %bitcast3A_403 : vector<16xf32>
        %mul3A_406 = arith.constant 8 : i32
        %mul3A_407 = arith.muli %scan3A_305, %mul3A_406 : i32
        %add3A_408 = arith.constant 5 : i32
        %add3A_409 = arith.addi %mul3A_407, %add3A_408 : i32
        %mul3A_410 = arith.constant 16 : i32
        %mul3A_411 = arith.muli %add3A_409, %mul3A_410 : i32
        %get3A_412 = arith.constant 2 : i32
        %get3A_413 = arith.index_cast %get3A_412 : i32 to index
        %get3A_414 = arith.index_cast %mul3A_411 : i32 to index
        %get3A_415 = tpu.vector_load %arg6[%get3A_413, %get3A_414] {strides = array<i32>} : memref<4x3200xi32, #tpu.memory_space<vmem>>, vector<16xi32>,
        %gather3A_416 = tpu.vector_load_idx %arg5[%get3A_415] : memref<100000xi32, #tpu.memory_space<vmem>>[vector<16xi32>], vector<16xi32>,
        %shift_left3A_417 = arith.constant 16 : i32
        %shift_left3A_418 = vector.broadcast %shift_left3A_417 : i32 to vector<16xi32>
        %shift_left3A_419 = arith.shli %gather3A_416, %shift_left3A_418 : vector<16xi32>
        %bitcast3A_420 = vector.bitcast %shift_left3A_419 : vector<16xi32> to vector<16xf32>
        %and3A_421 = vector.broadcast %scan3A : i32 to vector<16xi32>
        %and3A_422 = arith.andi %gather3A_416, %and3A_421 : vector<16xi32>
        %bitcast3A_423 = vector.bitcast %and3A_422 : vector<16xi32> to vector<16xf32>
        %add3A_424 = arith.addf %add3A_384, %bitcast3A_420 : vector<16xf32>
        %add3A_425 = arith.addf %add3A_385, %bitcast3A_423 : vector<16xf32>
        %mul3A_426 = arith.constant 8 : i32
        %mul3A_427 = arith.muli %scan3A_305, %mul3A_426 : i32
        %add3A_428 = arith.constant 6 : i32
        %add3A_429 = arith.addi %mul3A_427, %add3A_428 : i32
        %mul3A_430 = arith.constant 16 : i32
        %mul3A_431 = arith.muli %add3A_429, %mul3A_430 : i32
        %get3A_432 = arith.constant 2 : i32
        %get3A_433 = arith.index_cast %get3A_432 : i32 to index
        %get3A_434 = arith.index_cast %mul3A_431 : i32 to index
        %get3A_435 = tpu.vector_load %arg6[%get3A_433, %get3A_434] {strides = array<i32>} : memref<4x3200xi32, #tpu.memory_space<vmem>>, vector<16xi32>,
        %gather3A_436 = tpu.vector_load_idx %arg5[%get3A_435] : memref<100000xi32, #tpu.memory_space<vmem>>[vector<16xi32>], vector<16xi32>,
        %shift_left3A_437 = arith.constant 16 : i32
        %shift_left3A_438 = vector.broadcast %shift_left3A_437 : i32 to vector<16xi32>
        %shift_left3A_439 = arith.shli %gather3A_436, %shift_left3A_438 : vector<16xi32>
        %bitcast3A_440 = vector.bitcast %shift_left3A_439 : vector<16xi32> to vector<16xf32>
        %and3A_441 = vector.broadcast %scan3A : i32 to vector<16xi32>
        %and3A_442 = arith.andi %gather3A_436, %and3A_441 : vector<16xi32>
        %bitcast3A_443 = vector.bitcast %and3A_442 : vector<16xi32> to vector<16xf32>
        %add3A_444 = arith.addf %add3A_404, %bitcast3A_440 : vector<16xf32>
        %add3A_445 = arith.addf %add3A_405, %bitcast3A_443 : vector<16xf32>
        %mul3A_446 = arith.constant 8 : i32
        %mul3A_447 = arith.muli %scan3A_305, %mul3A_446 : i32
        %add3A_448 = arith.constant 7 : i32
        %add3A_449 = arith.addi %mul3A_447, %add3A_448 : i32
        %mul3A_450 = arith.constant 16 : i32
        %mul3A_451 = arith.muli %add3A_449, %mul3A_450 : i32
        %get3A_452 = arith.constant 2 : i32
        %get3A_453 = arith.index_cast %get3A_452 : i32 to index
        %get3A_454 = arith.index_cast %mul3A_451 : i32 to index
        %get3A_455 = tpu.vector_load %arg6[%get3A_453, %get3A_454] {strides = array<i32>} : memref<4x3200xi32, #tpu.memory_space<vmem>>, vector<16xi32>,
        %gather3A_456 = tpu.vector_load_idx %arg5[%get3A_455] : memref<100000xi32, #tpu.memory_space<vmem>>[vector<16xi32>], vector<16xi32>,
        %shift_left3A_457 = arith.constant 16 : i32
        %shift_left3A_458 = vector.broadcast %shift_left3A_457 : i32 to vector<16xi32>
        %shift_left3A_459 = arith.shli %gather3A_456, %shift_left3A_458 : vector<16xi32>
        %bitcast3A_460 = vector.bitcast %shift_left3A_459 : vector<16xi32> to vector<16xf32>
        %and3A_461 = vector.broadcast %scan3A : i32 to vector<16xi32>
        %and3A_462 = arith.andi %gather3A_456, %and3A_461 : vector<16xi32>
        %bitcast3A_463 = vector.bitcast %and3A_462 : vector<16xi32> to vector<16xf32>
        %add3A_464 = arith.addf %add3A_424, %bitcast3A_460 : vector<16xf32>
        %add3A_465 = arith.addf %add3A_425, %bitcast3A_463 : vector<16xf32>
        scf.yield %add3A_444, %add3A_464, %add3A_445, %add3A_465 : vector<16xf32>, vector<16xf32>, vector<16xf32>, vector<16xf32>
      }
      %scan3A_134 = arith.constant 25 : i32
      %add3A_135 = arith.addf %scan3A_133#0, %scan3A_133#1 : vector<16xf32>
      %mul3A_136 = arith.constant 16 : i32
      %mul3A_137 = arith.muli %add3A_126, %mul3A_136 : i32
      %swap3A_138 = arith.constant 0 : i32
      %swap3A_139 = arith.index_cast %swap3A_138 : i32 to index
      %swap3A_140 = arith.index_cast %mul3A_137 : i32 to index
      %swap3A_141 = tpu.vector_load %arg8[%swap3A_139, %swap3A_140] {strides = array<i32>} : memref<2x256xf32, #tpu.memory_space<vmem>>, vector<16xf32>,
      tpu.vector_store %arg8[%swap3A_139, %swap3A_140], %add3A_135 {strides = array<i32>} : memref<2x256xf32, #tpu.memory_space<vmem>>, vector<16xf32>,
      %add3A_142 = arith.addf %scan3A_133#2, %scan3A_133#3 : vector<16xf32>
      %mul3A_143 = arith.constant 16 : i32
      %mul3A_144 = arith.muli %add3A_126, %mul3A_143 : i32
      %swap3A_145 = arith.constant 1 : i32
      %swap3A_146 = arith.index_cast %swap3A_145 : i32 to index
      %swap3A_147 = arith.index_cast %mul3A_144 : i32 to index
      %swap3A_148 = tpu.vector_load %arg8[%swap3A_146, %swap3A_147] {strides = array<i32>} : memref<2x256xf32, #tpu.memory_space<vmem>>, vector<16xf32>,
      tpu.vector_store %arg8[%swap3A_146, %swap3A_147], %add3A_142 {strides = array<i32>} : memref<2x256xf32, #tpu.memory_space<vmem>>, vector<16xf32>,
      %mul3A_149 = arith.constant 4 : i32
      %mul3A_150 = arith.muli %mul3A_55, %mul3A_149 : i32
      %add3A_151 = arith.constant 3 : i32
      %add3A_152 = arith.addi %mul3A_150, %add3A_151 : i32
      %broadcast_in_dim3A_153 = arith.constant 0.000000e+00 : f32
      %broadcast_in_dim3A_154 = vector.broadcast %broadcast_in_dim3A_153 : f32 to vector<16xf32>
      %scan3A_155 = arith.constant 0 : i32
      %scan3A_156 = arith.constant 25 : i32
      %scan3A_157 = arith.addi %scan3A_155, %scan3A_156 : i32
      %scan3A_158 = arith.constant 1 : i32
      %scan3A_159:4 = scf.for %scan3A_305 = %scan3A_155 to %scan3A_157 step %scan3A_158 iter_args(%scan3A_306 = %broadcast_in_dim3A_154, %scan3A_307 = %broadcast_in_dim3A_154, %scan3A_308 = %broadcast_in_dim3A_154, %scan3A_309 = %broadcast_in_dim3A_154) -> (vector<16xf32>, vector<16xf32>, vector<16xf32>, vector<16xf32>)  : i32 {
        %mul3A_310 = arith.constant 8 : i32
        %mul3A_311 = arith.muli %scan3A_305, %mul3A_310 : i32
        %add3A_312 = arith.constant 0 : i32
        %add3A_313 = arith.addi %mul3A_311, %add3A_312 : i32
        %mul3A_314 = arith.constant 16 : i32
        %mul3A_315 = arith.muli %add3A_313, %mul3A_314 : i32
        %get3A = arith.constant 3 : i32
        %get3A_316 = arith.index_cast %get3A : i32 to index
        %get3A_317 = arith.index_cast %mul3A_315 : i32 to index
        %get3A_318 = tpu.vector_load %arg6[%get3A_316, %get3A_317] {strides = array<i32>} : memref<4x3200xi32, #tpu.memory_space<vmem>>, vector<16xi32>,
        %gather3A = tpu.vector_load_idx %arg5[%get3A_318] : memref<100000xi32, #tpu.memory_space<vmem>>[vector<16xi32>], vector<16xi32>,
        %shift_left3A = arith.constant 16 : i32
        %shift_left3A_319 = vector.broadcast %shift_left3A : i32 to vector<16xi32>
        %shift_left3A_320 = arith.shli %gather3A, %shift_left3A_319 : vector<16xi32>
        %bitcast3A = vector.bitcast %shift_left3A_320 : vector<16xi32> to vector<16xf32>
        %and3A_321 = vector.broadcast %scan3A : i32 to vector<16xi32>
        %and3A_322 = arith.andi %gather3A, %and3A_321 : vector<16xi32>
        %bitcast3A_323 = vector.bitcast %and3A_322 : vector<16xi32> to vector<16xf32>
        %add3A_324 = arith.addf %scan3A_306, %bitcast3A : vector<16xf32>
        %add3A_325 = arith.addf %scan3A_308, %bitcast3A_323 : vector<16xf32>
        %mul3A_326 = arith.constant 8 : i32
        %mul3A_327 = arith.muli %scan3A_305, %mul3A_326 : i32
        %add3A_328 = arith.constant 1 : i32
        %add3A_329 = arith.addi %mul3A_327, %add3A_328 : i32
        %mul3A_330 = arith.constant 16 : i32
        %mul3A_331 = arith.muli %add3A_329, %mul3A_330 : i32
        %get3A_332 = arith.constant 3 : i32
        %get3A_333 = arith.index_cast %get3A_332 : i32 to index
        %get3A_334 = arith.index_cast %mul3A_331 : i32 to index
        %get3A_335 = tpu.vector_load %arg6[%get3A_333, %get3A_334] {strides = array<i32>} : memref<4x3200xi32, #tpu.memory_space<vmem>>, vector<16xi32>,
        %gather3A_336 = tpu.vector_load_idx %arg5[%get3A_335] : memref<100000xi32, #tpu.memory_space<vmem>>[vector<16xi32>], vector<16xi32>,
        %shift_left3A_337 = arith.constant 16 : i32
        %shift_left3A_338 = vector.broadcast %shift_left3A_337 : i32 to vector<16xi32>
        %shift_left3A_339 = arith.shli %gather3A_336, %shift_left3A_338 : vector<16xi32>
        %bitcast3A_340 = vector.bitcast %shift_left3A_339 : vector<16xi32> to vector<16xf32>
        %and3A_341 = vector.broadcast %scan3A : i32 to vector<16xi32>
        %and3A_342 = arith.andi %gather3A_336, %and3A_341 : vector<16xi32>
        %bitcast3A_343 = vector.bitcast %and3A_342 : vector<16xi32> to vector<16xf32>
        %add3A_344 = arith.addf %scan3A_307, %bitcast3A_340 : vector<16xf32>
        %add3A_345 = arith.addf %scan3A_309, %bitcast3A_343 : vector<16xf32>
        %mul3A_346 = arith.constant 8 : i32
        %mul3A_347 = arith.muli %scan3A_305, %mul3A_346 : i32
        %add3A_348 = arith.constant 2 : i32
        %add3A_349 = arith.addi %mul3A_347, %add3A_348 : i32
        %mul3A_350 = arith.constant 16 : i32
        %mul3A_351 = arith.muli %add3A_349, %mul3A_350 : i32
        %get3A_352 = arith.constant 3 : i32
        %get3A_353 = arith.index_cast %get3A_352 : i32 to index
        %get3A_354 = arith.index_cast %mul3A_351 : i32 to index
        %get3A_355 = tpu.vector_load %arg6[%get3A_353, %get3A_354] {strides = array<i32>} : memref<4x3200xi32, #tpu.memory_space<vmem>>, vector<16xi32>,
        %gather3A_356 = tpu.vector_load_idx %arg5[%get3A_355] : memref<100000xi32, #tpu.memory_space<vmem>>[vector<16xi32>], vector<16xi32>,
        %shift_left3A_357 = arith.constant 16 : i32
        %shift_left3A_358 = vector.broadcast %shift_left3A_357 : i32 to vector<16xi32>
        %shift_left3A_359 = arith.shli %gather3A_356, %shift_left3A_358 : vector<16xi32>
        %bitcast3A_360 = vector.bitcast %shift_left3A_359 : vector<16xi32> to vector<16xf32>
        %and3A_361 = vector.broadcast %scan3A : i32 to vector<16xi32>
        %and3A_362 = arith.andi %gather3A_356, %and3A_361 : vector<16xi32>
        %bitcast3A_363 = vector.bitcast %and3A_362 : vector<16xi32> to vector<16xf32>
        %add3A_364 = arith.addf %add3A_324, %bitcast3A_360 : vector<16xf32>
        %add3A_365 = arith.addf %add3A_325, %bitcast3A_363 : vector<16xf32>
        %mul3A_366 = arith.constant 8 : i32
        %mul3A_367 = arith.muli %scan3A_305, %mul3A_366 : i32
        %add3A_368 = arith.constant 3 : i32
        %add3A_369 = arith.addi %mul3A_367, %add3A_368 : i32
        %mul3A_370 = arith.constant 16 : i32
        %mul3A_371 = arith.muli %add3A_369, %mul3A_370 : i32
        %get3A_372 = arith.constant 3 : i32
        %get3A_373 = arith.index_cast %get3A_372 : i32 to index
        %get3A_374 = arith.index_cast %mul3A_371 : i32 to index
        %get3A_375 = tpu.vector_load %arg6[%get3A_373, %get3A_374] {strides = array<i32>} : memref<4x3200xi32, #tpu.memory_space<vmem>>, vector<16xi32>,
        %gather3A_376 = tpu.vector_load_idx %arg5[%get3A_375] : memref<100000xi32, #tpu.memory_space<vmem>>[vector<16xi32>], vector<16xi32>,
        %shift_left3A_377 = arith.constant 16 : i32
        %shift_left3A_378 = vector.broadcast %shift_left3A_377 : i32 to vector<16xi32>
        %shift_left3A_379 = arith.shli %gather3A_376, %shift_left3A_378 : vector<16xi32>
        %bitcast3A_380 = vector.bitcast %shift_left3A_379 : vector<16xi32> to vector<16xf32>
        %and3A_381 = vector.broadcast %scan3A : i32 to vector<16xi32>
        %and3A_382 = arith.andi %gather3A_376, %and3A_381 : vector<16xi32>
        %bitcast3A_383 = vector.bitcast %and3A_382 : vector<16xi32> to vector<16xf32>
        %add3A_384 = arith.addf %add3A_344, %bitcast3A_380 : vector<16xf32>
        %add3A_385 = arith.addf %add3A_345, %bitcast3A_383 : vector<16xf32>
        %mul3A_386 = arith.constant 8 : i32
        %mul3A_387 = arith.muli %scan3A_305, %mul3A_386 : i32
        %add3A_388 = arith.constant 4 : i32
        %add3A_389 = arith.addi %mul3A_387, %add3A_388 : i32
        %mul3A_390 = arith.constant 16 : i32
        %mul3A_391 = arith.muli %add3A_389, %mul3A_390 : i32
        %get3A_392 = arith.constant 3 : i32
        %get3A_393 = arith.index_cast %get3A_392 : i32 to index
        %get3A_394 = arith.index_cast %mul3A_391 : i32 to index
        %get3A_395 = tpu.vector_load %arg6[%get3A_393, %get3A_394] {strides = array<i32>} : memref<4x3200xi32, #tpu.memory_space<vmem>>, vector<16xi32>,
        %gather3A_396 = tpu.vector_load_idx %arg5[%get3A_395] : memref<100000xi32, #tpu.memory_space<vmem>>[vector<16xi32>], vector<16xi32>,
        %shift_left3A_397 = arith.constant 16 : i32
        %shift_left3A_398 = vector.broadcast %shift_left3A_397 : i32 to vector<16xi32>
        %shift_left3A_399 = arith.shli %gather3A_396, %shift_left3A_398 : vector<16xi32>
        %bitcast3A_400 = vector.bitcast %shift_left3A_399 : vector<16xi32> to vector<16xf32>
        %and3A_401 = vector.broadcast %scan3A : i32 to vector<16xi32>
        %and3A_402 = arith.andi %gather3A_396, %and3A_401 : vector<16xi32>
        %bitcast3A_403 = vector.bitcast %and3A_402 : vector<16xi32> to vector<16xf32>
        %add3A_404 = arith.addf %add3A_364, %bitcast3A_400 : vector<16xf32>
        %add3A_405 = arith.addf %add3A_365, %bitcast3A_403 : vector<16xf32>
        %mul3A_406 = arith.constant 8 : i32
        %mul3A_407 = arith.muli %scan3A_305, %mul3A_406 : i32
        %add3A_408 = arith.constant 5 : i32
        %add3A_409 = arith.addi %mul3A_407, %add3A_408 : i32
        %mul3A_410 = arith.constant 16 : i32
        %mul3A_411 = arith.muli %add3A_409, %mul3A_410 : i32
        %get3A_412 = arith.constant 3 : i32
        %get3A_413 = arith.index_cast %get3A_412 : i32 to index
        %get3A_414 = arith.index_cast %mul3A_411 : i32 to index
        %get3A_415 = tpu.vector_load %arg6[%get3A_413, %get3A_414] {strides = array<i32>} : memref<4x3200xi32, #tpu.memory_space<vmem>>, vector<16xi32>,
        %gather3A_416 = tpu.vector_load_idx %arg5[%get3A_415] : memref<100000xi32, #tpu.memory_space<vmem>>[vector<16xi32>], vector<16xi32>,
        %shift_left3A_417 = arith.constant 16 : i32
        %shift_left3A_418 = vector.broadcast %shift_left3A_417 : i32 to vector<16xi32>
        %shift_left3A_419 = arith.shli %gather3A_416, %shift_left3A_418 : vector<16xi32>
        %bitcast3A_420 = vector.bitcast %shift_left3A_419 : vector<16xi32> to vector<16xf32>
        %and3A_421 = vector.broadcast %scan3A : i32 to vector<16xi32>
        %and3A_422 = arith.andi %gather3A_416, %and3A_421 : vector<16xi32>
        %bitcast3A_423 = vector.bitcast %and3A_422 : vector<16xi32> to vector<16xf32>
        %add3A_424 = arith.addf %add3A_384, %bitcast3A_420 : vector<16xf32>
        %add3A_425 = arith.addf %add3A_385, %bitcast3A_423 : vector<16xf32>
        %mul3A_426 = arith.constant 8 : i32
        %mul3A_427 = arith.muli %scan3A_305, %mul3A_426 : i32
        %add3A_428 = arith.constant 6 : i32
        %add3A_429 = arith.addi %mul3A_427, %add3A_428 : i32
        %mul3A_430 = arith.constant 16 : i32
        %mul3A_431 = arith.muli %add3A_429, %mul3A_430 : i32
        %get3A_432 = arith.constant 3 : i32
        %get3A_433 = arith.index_cast %get3A_432 : i32 to index
        %get3A_434 = arith.index_cast %mul3A_431 : i32 to index
        %get3A_435 = tpu.vector_load %arg6[%get3A_433, %get3A_434] {strides = array<i32>} : memref<4x3200xi32, #tpu.memory_space<vmem>>, vector<16xi32>,
        %gather3A_436 = tpu.vector_load_idx %arg5[%get3A_435] : memref<100000xi32, #tpu.memory_space<vmem>>[vector<16xi32>], vector<16xi32>,
        %shift_left3A_437 = arith.constant 16 : i32
        %shift_left3A_438 = vector.broadcast %shift_left3A_437 : i32 to vector<16xi32>
        %shift_left3A_439 = arith.shli %gather3A_436, %shift_left3A_438 : vector<16xi32>
        %bitcast3A_440 = vector.bitcast %shift_left3A_439 : vector<16xi32> to vector<16xf32>
        %and3A_441 = vector.broadcast %scan3A : i32 to vector<16xi32>
        %and3A_442 = arith.andi %gather3A_436, %and3A_441 : vector<16xi32>
        %bitcast3A_443 = vector.bitcast %and3A_442 : vector<16xi32> to vector<16xf32>
        %add3A_444 = arith.addf %add3A_404, %bitcast3A_440 : vector<16xf32>
        %add3A_445 = arith.addf %add3A_405, %bitcast3A_443 : vector<16xf32>
        %mul3A_446 = arith.constant 8 : i32
        %mul3A_447 = arith.muli %scan3A_305, %mul3A_446 : i32
        %add3A_448 = arith.constant 7 : i32
        %add3A_449 = arith.addi %mul3A_447, %add3A_448 : i32
        %mul3A_450 = arith.constant 16 : i32
        %mul3A_451 = arith.muli %add3A_449, %mul3A_450 : i32
        %get3A_452 = arith.constant 3 : i32
        %get3A_453 = arith.index_cast %get3A_452 : i32 to index
        %get3A_454 = arith.index_cast %mul3A_451 : i32 to index
        %get3A_455 = tpu.vector_load %arg6[%get3A_453, %get3A_454] {strides = array<i32>} : memref<4x3200xi32, #tpu.memory_space<vmem>>, vector<16xi32>,
        %gather3A_456 = tpu.vector_load_idx %arg5[%get3A_455] : memref<100000xi32, #tpu.memory_space<vmem>>[vector<16xi32>], vector<16xi32>,
        %shift_left3A_457 = arith.constant 16 : i32
        %shift_left3A_458 = vector.broadcast %shift_left3A_457 : i32 to vector<16xi32>
        %shift_left3A_459 = arith.shli %gather3A_456, %shift_left3A_458 : vector<16xi32>
        %bitcast3A_460 = vector.bitcast %shift_left3A_459 : vector<16xi32> to vector<16xf32>
        %and3A_461 = vector.broadcast %scan3A : i32 to vector<16xi32>
        %and3A_462 = arith.andi %gather3A_456, %and3A_461 : vector<16xi32>
        %bitcast3A_463 = vector.bitcast %and3A_462 : vector<16xi32> to vector<16xf32>
        %add3A_464 = arith.addf %add3A_424, %bitcast3A_460 : vector<16xf32>
        %add3A_465 = arith.addf %add3A_425, %bitcast3A_463 : vector<16xf32>
        scf.yield %add3A_444, %add3A_464, %add3A_445, %add3A_465 : vector<16xf32>, vector<16xf32>, vector<16xf32>, vector<16xf32>
      }
      %scan3A_160 = arith.constant 25 : i32
      %add3A_161 = arith.addf %scan3A_159#0, %scan3A_159#1 : vector<16xf32>
      %mul3A_162 = arith.constant 16 : i32
      %mul3A_163 = arith.muli %add3A_152, %mul3A_162 : i32
      %swap3A_164 = arith.constant 0 : i32
      %swap3A_165 = arith.index_cast %swap3A_164 : i32 to index
      %swap3A_166 = arith.index_cast %mul3A_163 : i32 to index
      %swap3A_167 = tpu.vector_load %arg8[%swap3A_165, %swap3A_166] {strides = array<i32>} : memref<2x256xf32, #tpu.memory_space<vmem>>, vector<16xf32>,
      tpu.vector_store %arg8[%swap3A_165, %swap3A_166], %add3A_161 {strides = array<i32>} : memref<2x256xf32, #tpu.memory_space<vmem>>, vector<16xf32>,
      %add3A_168 = arith.addf %scan3A_159#2, %scan3A_159#3 : vector<16xf32>
      %mul3A_169 = arith.constant 16 : i32
      %mul3A_170 = arith.muli %add3A_152, %mul3A_169 : i32
      %swap3A_171 = arith.constant 1 : i32
      %swap3A_172 = arith.index_cast %swap3A_171 : i32 to index
      %swap3A_173 = arith.index_cast %mul3A_170 : i32 to index
      %swap3A_174 = tpu.vector_load %arg8[%swap3A_172, %swap3A_173] {strides = array<i32>} : memref<2x256xf32, #tpu.memory_space<vmem>>, vector<16xf32>,
      tpu.vector_store %arg8[%swap3A_172, %swap3A_173], %add3A_168 {strides = array<i32>} : memref<2x256xf32, #tpu.memory_space<vmem>>, vector<16xf32>,
      %dma_wait3A_175 = arith.constant 0 : i32
      %dma_wait3A_176 = arith.constant 0 : i32
      %dma_wait3A_177 = tpu.memref_slice %arg3[%dma_wait3A_175, %dma_wait3A_176] : memref<256x3200xi32, #tpu.memory_space<hbm>> -> memref<4x3200xi32, #tpu.memory_space<hbm>>
      %dma_wait3A_178 = arith.constant 0 : i32
      %dma_wait3A_179 = arith.constant 0 : i32
      %dma_wait3A_180 = tpu.memref_slice %arg3[%dma_wait3A_178, %dma_wait3A_179] : memref<256x3200xi32, #tpu.memory_space<hbm>> -> memref<4x3200xi32, #tpu.memory_space<hbm>>
      tpu.wait_dma2 semaphore(%arg10 : memref<!tpu.dma_semaphore, #tpu.memory_space<semaphore_mem>>) src(%dma_wait3A_180 : memref<4x3200xi32, #tpu.memory_space<hbm>>) dst(%arg7 : memref<4x3200xi32, #tpu.memory_space<vmem>>)
      %add3A_181 = arith.constant 2 : i32
      %add3A_182 = arith.addi %mul3A_55, %add3A_181 : i32
      %rem3A_183 = arith.constant 4 : i32
      %rem3A_184 = arith.remsi %add3A_182, %rem3A_183 : i32
      %mul3A_185 = arith.constant 4 : i32
      %mul3A_186 = arith.muli %rem3A_184, %mul3A_185 : i32
      %add3A_187 = arith.addi %mul3A_32, %mul3A_186 : i32
      %dma_start3A_188 = arith.constant 0 : i32
      %dma_start3A_189 = tpu.memref_slice %arg3[%add3A_187, %dma_start3A_188] : memref<256x3200xi32, #tpu.memory_space<hbm>> -> memref<4x3200xi32, #tpu.memory_space<hbm>>
      %dma_start3A_190 = arith.constant 0 : i32
      %dma_start3A_191 = tpu.memref_slice %arg3[%add3A_187, %dma_start3A_190] : memref<256x3200xi32, #tpu.memory_space<hbm>> -> memref<4x3200xi32, #tpu.memory_space<hbm>>
      tpu.enqueue_dma source(%dma_start3A_191 : memref<4x3200xi32, #tpu.memory_space<hbm>>) target(%arg6 : memref<4x3200xi32, #tpu.memory_space<vmem>>) target_semaphore(%arg9 : memref<!tpu.dma_semaphore, #tpu.memory_space<semaphore_mem>>)
      %add3A_192 = arith.constant 1 : i32
      %add3A_193 = arith.addi %mul3A_55, %add3A_192 : i32
      %mul3A_194 = arith.constant 4 : i32
      %mul3A_195 = arith.muli %add3A_193, %mul3A_194 : i32
      %add3A_196 = arith.constant 0 : i32
      %add3A_197 = arith.addi %mul3A_195, %add3A_196 : i32
      %broadcast_in_dim3A_198 = arith.constant 0.000000e+00 : f32
      %broadcast_in_dim3A_199 = vector.broadcast %broadcast_in_dim3A_198 : f32 to vector<16xf32>
      %scan3A_200 = arith.constant 0 : i32
      %scan3A_201 = arith.constant 25 : i32
      %scan3A_202 = arith.addi %scan3A_200, %scan3A_201 : i32
      %scan3A_203 = arith.constant 1 : i32
      %scan3A_204:4 = scf.for %scan3A_305 = %scan3A_200 to %scan3A_202 step %scan3A_203 iter_args(%scan3A_306 = %broadcast_in_dim3A_199, %scan3A_307 = %broadcast_in_dim3A_199, %scan3A_308 = %broadcast_in_dim3A_199, %scan3A_309 = %broadcast_in_dim3A_199) -> (vector<16xf32>, vector<16xf32>, vector<16xf32>, vector<16xf32>)  : i32 {
        %mul3A_310 = arith.constant 8 : i32
        %mul3A_311 = arith.muli %scan3A_305, %mul3A_310 : i32
        %add3A_312 = arith.constant 0 : i32
        %add3A_313 = arith.addi %mul3A_311, %add3A_312 : i32
        %mul3A_314 = arith.constant 16 : i32
        %mul3A_315 = arith.muli %add3A_313, %mul3A_314 : i32
        %get3A = arith.constant 0 : i32
        %get3A_316 = arith.index_cast %get3A : i32 to index
        %get3A_317 = arith.index_cast %mul3A_315 : i32 to index
        %get3A_318 = tpu.vector_load %arg7[%get3A_316, %get3A_317] {strides = array<i32>} : memref<4x3200xi32, #tpu.memory_space<vmem>>, vector<16xi32>,
        %gather3A = tpu.vector_load_idx %arg5[%get3A_318] : memref<100000xi32, #tpu.memory_space<vmem>>[vector<16xi32>], vector<16xi32>,
        %shift_left3A = arith.constant 16 : i32
        %shift_left3A_319 = vector.broadcast %shift_left3A : i32 to vector<16xi32>
        %shift_left3A_320 = arith.shli %gather3A, %shift_left3A_319 : vector<16xi32>
        %bitcast3A = vector.bitcast %shift_left3A_320 : vector<16xi32> to vector<16xf32>
        %and3A_321 = vector.broadcast %scan3A : i32 to vector<16xi32>
        %and3A_322 = arith.andi %gather3A, %and3A_321 : vector<16xi32>
        %bitcast3A_323 = vector.bitcast %and3A_322 : vector<16xi32> to vector<16xf32>
        %add3A_324 = arith.addf %scan3A_306, %bitcast3A : vector<16xf32>
        %add3A_325 = arith.addf %scan3A_308, %bitcast3A_323 : vector<16xf32>
        %mul3A_326 = arith.constant 8 : i32
        %mul3A_327 = arith.muli %scan3A_305, %mul3A_326 : i32
        %add3A_328 = arith.constant 1 : i32
        %add3A_329 = arith.addi %mul3A_327, %add3A_328 : i32
        %mul3A_330 = arith.constant 16 : i32
        %mul3A_331 = arith.muli %add3A_329, %mul3A_330 : i32
        %get3A_332 = arith.constant 0 : i32
        %get3A_333 = arith.index_cast %get3A_332 : i32 to index
        %get3A_334 = arith.index_cast %mul3A_331 : i32 to index
        %get3A_335 = tpu.vector_load %arg7[%get3A_333, %get3A_334] {strides = array<i32>} : memref<4x3200xi32, #tpu.memory_space<vmem>>, vector<16xi32>,
        %gather3A_336 = tpu.vector_load_idx %arg5[%get3A_335] : memref<100000xi32, #tpu.memory_space<vmem>>[vector<16xi32>], vector<16xi32>,
        %shift_left3A_337 = arith.constant 16 : i32
        %shift_left3A_338 = vector.broadcast %shift_left3A_337 : i32 to vector<16xi32>
        %shift_left3A_339 = arith.shli %gather3A_336, %shift_left3A_338 : vector<16xi32>
        %bitcast3A_340 = vector.bitcast %shift_left3A_339 : vector<16xi32> to vector<16xf32>
        %and3A_341 = vector.broadcast %scan3A : i32 to vector<16xi32>
        %and3A_342 = arith.andi %gather3A_336, %and3A_341 : vector<16xi32>
        %bitcast3A_343 = vector.bitcast %and3A_342 : vector<16xi32> to vector<16xf32>
        %add3A_344 = arith.addf %scan3A_307, %bitcast3A_340 : vector<16xf32>
        %add3A_345 = arith.addf %scan3A_309, %bitcast3A_343 : vector<16xf32>
        %mul3A_346 = arith.constant 8 : i32
        %mul3A_347 = arith.muli %scan3A_305, %mul3A_346 : i32
        %add3A_348 = arith.constant 2 : i32
        %add3A_349 = arith.addi %mul3A_347, %add3A_348 : i32
        %mul3A_350 = arith.constant 16 : i32
        %mul3A_351 = arith.muli %add3A_349, %mul3A_350 : i32
        %get3A_352 = arith.constant 0 : i32
        %get3A_353 = arith.index_cast %get3A_352 : i32 to index
        %get3A_354 = arith.index_cast %mul3A_351 : i32 to index
        %get3A_355 = tpu.vector_load %arg7[%get3A_353, %get3A_354] {strides = array<i32>} : memref<4x3200xi32, #tpu.memory_space<vmem>>, vector<16xi32>,
        %gather3A_356 = tpu.vector_load_idx %arg5[%get3A_355] : memref<100000xi32, #tpu.memory_space<vmem>>[vector<16xi32>], vector<16xi32>,
        %shift_left3A_357 = arith.constant 16 : i32
        %shift_left3A_358 = vector.broadcast %shift_left3A_357 : i32 to vector<16xi32>
        %shift_left3A_359 = arith.shli %gather3A_356, %shift_left3A_358 : vector<16xi32>
        %bitcast3A_360 = vector.bitcast %shift_left3A_359 : vector<16xi32> to vector<16xf32>
        %and3A_361 = vector.broadcast %scan3A : i32 to vector<16xi32>
        %and3A_362 = arith.andi %gather3A_356, %and3A_361 : vector<16xi32>
        %bitcast3A_363 = vector.bitcast %and3A_362 : vector<16xi32> to vector<16xf32>
        %add3A_364 = arith.addf %add3A_324, %bitcast3A_360 : vector<16xf32>
        %add3A_365 = arith.addf %add3A_325, %bitcast3A_363 : vector<16xf32>
        %mul3A_366 = arith.constant 8 : i32
        %mul3A_367 = arith.muli %scan3A_305, %mul3A_366 : i32
        %add3A_368 = arith.constant 3 : i32
        %add3A_369 = arith.addi %mul3A_367, %add3A_368 : i32
        %mul3A_370 = arith.constant 16 : i32
        %mul3A_371 = arith.muli %add3A_369, %mul3A_370 : i32
        %get3A_372 = arith.constant 0 : i32
        %get3A_373 = arith.index_cast %get3A_372 : i32 to index
        %get3A_374 = arith.index_cast %mul3A_371 : i32 to index
        %get3A_375 = tpu.vector_load %arg7[%get3A_373, %get3A_374] {strides = array<i32>} : memref<4x3200xi32, #tpu.memory_space<vmem>>, vector<16xi32>,
        %gather3A_376 = tpu.vector_load_idx %arg5[%get3A_375] : memref<100000xi32, #tpu.memory_space<vmem>>[vector<16xi32>], vector<16xi32>,
        %shift_left3A_377 = arith.constant 16 : i32
        %shift_left3A_378 = vector.broadcast %shift_left3A_377 : i32 to vector<16xi32>
        %shift_left3A_379 = arith.shli %gather3A_376, %shift_left3A_378 : vector<16xi32>
        %bitcast3A_380 = vector.bitcast %shift_left3A_379 : vector<16xi32> to vector<16xf32>
        %and3A_381 = vector.broadcast %scan3A : i32 to vector<16xi32>
        %and3A_382 = arith.andi %gather3A_376, %and3A_381 : vector<16xi32>
        %bitcast3A_383 = vector.bitcast %and3A_382 : vector<16xi32> to vector<16xf32>
        %add3A_384 = arith.addf %add3A_344, %bitcast3A_380 : vector<16xf32>
        %add3A_385 = arith.addf %add3A_345, %bitcast3A_383 : vector<16xf32>
        %mul3A_386 = arith.constant 8 : i32
        %mul3A_387 = arith.muli %scan3A_305, %mul3A_386 : i32
        %add3A_388 = arith.constant 4 : i32
        %add3A_389 = arith.addi %mul3A_387, %add3A_388 : i32
        %mul3A_390 = arith.constant 16 : i32
        %mul3A_391 = arith.muli %add3A_389, %mul3A_390 : i32
        %get3A_392 = arith.constant 0 : i32
        %get3A_393 = arith.index_cast %get3A_392 : i32 to index
        %get3A_394 = arith.index_cast %mul3A_391 : i32 to index
        %get3A_395 = tpu.vector_load %arg7[%get3A_393, %get3A_394] {strides = array<i32>} : memref<4x3200xi32, #tpu.memory_space<vmem>>, vector<16xi32>,
        %gather3A_396 = tpu.vector_load_idx %arg5[%get3A_395] : memref<100000xi32, #tpu.memory_space<vmem>>[vector<16xi32>], vector<16xi32>,
        %shift_left3A_397 = arith.constant 16 : i32
        %shift_left3A_398 = vector.broadcast %shift_left3A_397 : i32 to vector<16xi32>
        %shift_left3A_399 = arith.shli %gather3A_396, %shift_left3A_398 : vector<16xi32>
        %bitcast3A_400 = vector.bitcast %shift_left3A_399 : vector<16xi32> to vector<16xf32>
        %and3A_401 = vector.broadcast %scan3A : i32 to vector<16xi32>
        %and3A_402 = arith.andi %gather3A_396, %and3A_401 : vector<16xi32>
        %bitcast3A_403 = vector.bitcast %and3A_402 : vector<16xi32> to vector<16xf32>
        %add3A_404 = arith.addf %add3A_364, %bitcast3A_400 : vector<16xf32>
        %add3A_405 = arith.addf %add3A_365, %bitcast3A_403 : vector<16xf32>
        %mul3A_406 = arith.constant 8 : i32
        %mul3A_407 = arith.muli %scan3A_305, %mul3A_406 : i32
        %add3A_408 = arith.constant 5 : i32
        %add3A_409 = arith.addi %mul3A_407, %add3A_408 : i32
        %mul3A_410 = arith.constant 16 : i32
        %mul3A_411 = arith.muli %add3A_409, %mul3A_410 : i32
        %get3A_412 = arith.constant 0 : i32
        %get3A_413 = arith.index_cast %get3A_412 : i32 to index
        %get3A_414 = arith.index_cast %mul3A_411 : i32 to index
        %get3A_415 = tpu.vector_load %arg7[%get3A_413, %get3A_414] {strides = array<i32>} : memref<4x3200xi32, #tpu.memory_space<vmem>>, vector<16xi32>,
        %gather3A_416 = tpu.vector_load_idx %arg5[%get3A_415] : memref<100000xi32, #tpu.memory_space<vmem>>[vector<16xi32>], vector<16xi32>,
        %shift_left3A_417 = arith.constant 16 : i32
        %shift_left3A_418 = vector.broadcast %shift_left3A_417 : i32 to vector<16xi32>
        %shift_left3A_419 = arith.shli %gather3A_416, %shift_left3A_418 : vector<16xi32>
        %bitcast3A_420 = vector.bitcast %shift_left3A_419 : vector<16xi32> to vector<16xf32>
        %and3A_421 = vector.broadcast %scan3A : i32 to vector<16xi32>
        %and3A_422 = arith.andi %gather3A_416, %and3A_421 : vector<16xi32>
        %bitcast3A_423 = vector.bitcast %and3A_422 : vector<16xi32> to vector<16xf32>
        %add3A_424 = arith.addf %add3A_384, %bitcast3A_420 : vector<16xf32>
        %add3A_425 = arith.addf %add3A_385, %bitcast3A_423 : vector<16xf32>
        %mul3A_426 = arith.constant 8 : i32
        %mul3A_427 = arith.muli %scan3A_305, %mul3A_426 : i32
        %add3A_428 = arith.constant 6 : i32
        %add3A_429 = arith.addi %mul3A_427, %add3A_428 : i32
        %mul3A_430 = arith.constant 16 : i32
        %mul3A_431 = arith.muli %add3A_429, %mul3A_430 : i32
        %get3A_432 = arith.constant 0 : i32
        %get3A_433 = arith.index_cast %get3A_432 : i32 to index
        %get3A_434 = arith.index_cast %mul3A_431 : i32 to index
        %get3A_435 = tpu.vector_load %arg7[%get3A_433, %get3A_434] {strides = array<i32>} : memref<4x3200xi32, #tpu.memory_space<vmem>>, vector<16xi32>,
        %gather3A_436 = tpu.vector_load_idx %arg5[%get3A_435] : memref<100000xi32, #tpu.memory_space<vmem>>[vector<16xi32>], vector<16xi32>,
        %shift_left3A_437 = arith.constant 16 : i32
        %shift_left3A_438 = vector.broadcast %shift_left3A_437 : i32 to vector<16xi32>
        %shift_left3A_439 = arith.shli %gather3A_436, %shift_left3A_438 : vector<16xi32>
        %bitcast3A_440 = vector.bitcast %shift_left3A_439 : vector<16xi32> to vector<16xf32>
        %and3A_441 = vector.broadcast %scan3A : i32 to vector<16xi32>
        %and3A_442 = arith.andi %gather3A_436, %and3A_441 : vector<16xi32>
        %bitcast3A_443 = vector.bitcast %and3A_442 : vector<16xi32> to vector<16xf32>
        %add3A_444 = arith.addf %add3A_404, %bitcast3A_440 : vector<16xf32>
        %add3A_445 = arith.addf %add3A_405, %bitcast3A_443 : vector<16xf32>
        %mul3A_446 = arith.constant 8 : i32
        %mul3A_447 = arith.muli %scan3A_305, %mul3A_446 : i32
        %add3A_448 = arith.constant 7 : i32
        %add3A_449 = arith.addi %mul3A_447, %add3A_448 : i32
        %mul3A_450 = arith.constant 16 : i32
        %mul3A_451 = arith.muli %add3A_449, %mul3A_450 : i32
        %get3A_452 = arith.constant 0 : i32
        %get3A_453 = arith.index_cast %get3A_452 : i32 to index
        %get3A_454 = arith.index_cast %mul3A_451 : i32 to index
        %get3A_455 = tpu.vector_load %arg7[%get3A_453, %get3A_454] {strides = array<i32>} : memref<4x3200xi32, #tpu.memory_space<vmem>>, vector<16xi32>,
        %gather3A_456 = tpu.vector_load_idx %arg5[%get3A_455] : memref<100000xi32, #tpu.memory_space<vmem>>[vector<16xi32>], vector<16xi32>,
        %shift_left3A_457 = arith.constant 16 : i32
        %shift_left3A_458 = vector.broadcast %shift_left3A_457 : i32 to vector<16xi32>
        %shift_left3A_459 = arith.shli %gather3A_456, %shift_left3A_458 : vector<16xi32>
        %bitcast3A_460 = vector.bitcast %shift_left3A_459 : vector<16xi32> to vector<16xf32>
        %and3A_461 = vector.broadcast %scan3A : i32 to vector<16xi32>
        %and3A_462 = arith.andi %gather3A_456, %and3A_461 : vector<16xi32>
        %bitcast3A_463 = vector.bitcast %and3A_462 : vector<16xi32> to vector<16xf32>
        %add3A_464 = arith.addf %add3A_424, %bitcast3A_460 : vector<16xf32>
        %add3A_465 = arith.addf %add3A_425, %bitcast3A_463 : vector<16xf32>
        scf.yield %add3A_444, %add3A_464, %add3A_445, %add3A_465 : vector<16xf32>, vector<16xf32>, vector<16xf32>, vector<16xf32>
      }
      %scan3A_205 = arith.constant 25 : i32
      %add3A_206 = arith.addf %scan3A_204#0, %scan3A_204#1 : vector<16xf32>
      %mul3A_207 = arith.constant 16 : i32
      %mul3A_208 = arith.muli %add3A_197, %mul3A_207 : i32
      %swap3A_209 = arith.constant 0 : i32
      %swap3A_210 = arith.index_cast %swap3A_209 : i32 to index
      %swap3A_211 = arith.index_cast %mul3A_208 : i32 to index
      %swap3A_212 = tpu.vector_load %arg8[%swap3A_210, %swap3A_211] {strides = array<i32>} : memref<2x256xf32, #tpu.memory_space<vmem>>, vector<16xf32>,
      tpu.vector_store %arg8[%swap3A_210, %swap3A_211], %add3A_206 {strides = array<i32>} : memref<2x256xf32, #tpu.memory_space<vmem>>, vector<16xf32>,
      %add3A_213 = arith.addf %scan3A_204#2, %scan3A_204#3 : vector<16xf32>
      %mul3A_214 = arith.constant 16 : i32
      %mul3A_215 = arith.muli %add3A_197, %mul3A_214 : i32
      %swap3A_216 = arith.constant 1 : i32
      %swap3A_217 = arith.index_cast %swap3A_216 : i32 to index
      %swap3A_218 = arith.index_cast %mul3A_215 : i32 to index
      %swap3A_219 = tpu.vector_load %arg8[%swap3A_217, %swap3A_218] {strides = array<i32>} : memref<2x256xf32, #tpu.memory_space<vmem>>, vector<16xf32>,
      tpu.vector_store %arg8[%swap3A_217, %swap3A_218], %add3A_213 {strides = array<i32>} : memref<2x256xf32, #tpu.memory_space<vmem>>, vector<16xf32>,
      %add3A_220 = arith.constant 1 : i32
      %add3A_221 = arith.addi %mul3A_55, %add3A_220 : i32
      %mul3A_222 = arith.constant 4 : i32
      %mul3A_223 = arith.muli %add3A_221, %mul3A_222 : i32
      %add3A_224 = arith.constant 1 : i32
      %add3A_225 = arith.addi %mul3A_223, %add3A_224 : i32
      %broadcast_in_dim3A_226 = arith.constant 0.000000e+00 : f32
      %broadcast_in_dim3A_227 = vector.broadcast %broadcast_in_dim3A_226 : f32 to vector<16xf32>
      %scan3A_228 = arith.constant 0 : i32
      %scan3A_229 = arith.constant 25 : i32
      %scan3A_230 = arith.addi %scan3A_228, %scan3A_229 : i32
      %scan3A_231 = arith.constant 1 : i32
      %scan3A_232:4 = scf.for %scan3A_305 = %scan3A_228 to %scan3A_230 step %scan3A_231 iter_args(%scan3A_306 = %broadcast_in_dim3A_227, %scan3A_307 = %broadcast_in_dim3A_227, %scan3A_308 = %broadcast_in_dim3A_227, %scan3A_309 = %broadcast_in_dim3A_227) -> (vector<16xf32>, vector<16xf32>, vector<16xf32>, vector<16xf32>)  : i32 {
        %mul3A_310 = arith.constant 8 : i32
        %mul3A_311 = arith.muli %scan3A_305, %mul3A_310 : i32
        %add3A_312 = arith.constant 0 : i32
        %add3A_313 = arith.addi %mul3A_311, %add3A_312 : i32
        %mul3A_314 = arith.constant 16 : i32
        %mul3A_315 = arith.muli %add3A_313, %mul3A_314 : i32
        %get3A = arith.constant 1 : i32
        %get3A_316 = arith.index_cast %get3A : i32 to index
        %get3A_317 = arith.index_cast %mul3A_315 : i32 to index
        %get3A_318 = tpu.vector_load %arg7[%get3A_316, %get3A_317] {strides = array<i32>} : memref<4x3200xi32, #tpu.memory_space<vmem>>, vector<16xi32>,
        %gather3A = tpu.vector_load_idx %arg5[%get3A_318] : memref<100000xi32, #tpu.memory_space<vmem>>[vector<16xi32>], vector<16xi32>,
        %shift_left3A = arith.constant 16 : i32
        %shift_left3A_319 = vector.broadcast %shift_left3A : i32 to vector<16xi32>
        %shift_left3A_320 = arith.shli %gather3A, %shift_left3A_319 : vector<16xi32>
        %bitcast3A = vector.bitcast %shift_left3A_320 : vector<16xi32> to vector<16xf32>
        %and3A_321 = vector.broadcast %scan3A : i32 to vector<16xi32>
        %and3A_322 = arith.andi %gather3A, %and3A_321 : vector<16xi32>
        %bitcast3A_323 = vector.bitcast %and3A_322 : vector<16xi32> to vector<16xf32>
        %add3A_324 = arith.addf %scan3A_306, %bitcast3A : vector<16xf32>
        %add3A_325 = arith.addf %scan3A_308, %bitcast3A_323 : vector<16xf32>
        %mul3A_326 = arith.constant 8 : i32
        %mul3A_327 = arith.muli %scan3A_305, %mul3A_326 : i32
        %add3A_328 = arith.constant 1 : i32
        %add3A_329 = arith.addi %mul3A_327, %add3A_328 : i32
        %mul3A_330 = arith.constant 16 : i32
        %mul3A_331 = arith.muli %add3A_329, %mul3A_330 : i32
        %get3A_332 = arith.constant 1 : i32
        %get3A_333 = arith.index_cast %get3A_332 : i32 to index
        %get3A_334 = arith.index_cast %mul3A_331 : i32 to index
        %get3A_335 = tpu.vector_load %arg7[%get3A_333, %get3A_334] {strides = array<i32>} : memref<4x3200xi32, #tpu.memory_space<vmem>>, vector<16xi32>,
        %gather3A_336 = tpu.vector_load_idx %arg5[%get3A_335] : memref<100000xi32, #tpu.memory_space<vmem>>[vector<16xi32>], vector<16xi32>,
        %shift_left3A_337 = arith.constant 16 : i32
        %shift_left3A_338 = vector.broadcast %shift_left3A_337 : i32 to vector<16xi32>
        %shift_left3A_339 = arith.shli %gather3A_336, %shift_left3A_338 : vector<16xi32>
        %bitcast3A_340 = vector.bitcast %shift_left3A_339 : vector<16xi32> to vector<16xf32>
        %and3A_341 = vector.broadcast %scan3A : i32 to vector<16xi32>
        %and3A_342 = arith.andi %gather3A_336, %and3A_341 : vector<16xi32>
        %bitcast3A_343 = vector.bitcast %and3A_342 : vector<16xi32> to vector<16xf32>
        %add3A_344 = arith.addf %scan3A_307, %bitcast3A_340 : vector<16xf32>
        %add3A_345 = arith.addf %scan3A_309, %bitcast3A_343 : vector<16xf32>
        %mul3A_346 = arith.constant 8 : i32
        %mul3A_347 = arith.muli %scan3A_305, %mul3A_346 : i32
        %add3A_348 = arith.constant 2 : i32
        %add3A_349 = arith.addi %mul3A_347, %add3A_348 : i32
        %mul3A_350 = arith.constant 16 : i32
        %mul3A_351 = arith.muli %add3A_349, %mul3A_350 : i32
        %get3A_352 = arith.constant 1 : i32
        %get3A_353 = arith.index_cast %get3A_352 : i32 to index
        %get3A_354 = arith.index_cast %mul3A_351 : i32 to index
        %get3A_355 = tpu.vector_load %arg7[%get3A_353, %get3A_354] {strides = array<i32>} : memref<4x3200xi32, #tpu.memory_space<vmem>>, vector<16xi32>,
        %gather3A_356 = tpu.vector_load_idx %arg5[%get3A_355] : memref<100000xi32, #tpu.memory_space<vmem>>[vector<16xi32>], vector<16xi32>,
        %shift_left3A_357 = arith.constant 16 : i32
        %shift_left3A_358 = vector.broadcast %shift_left3A_357 : i32 to vector<16xi32>
        %shift_left3A_359 = arith.shli %gather3A_356, %shift_left3A_358 : vector<16xi32>
        %bitcast3A_360 = vector.bitcast %shift_left3A_359 : vector<16xi32> to vector<16xf32>
        %and3A_361 = vector.broadcast %scan3A : i32 to vector<16xi32>
        %and3A_362 = arith.andi %gather3A_356, %and3A_361 : vector<16xi32>
        %bitcast3A_363 = vector.bitcast %and3A_362 : vector<16xi32> to vector<16xf32>
        %add3A_364 = arith.addf %add3A_324, %bitcast3A_360 : vector<16xf32>
        %add3A_365 = arith.addf %add3A_325, %bitcast3A_363 : vector<16xf32>
        %mul3A_366 = arith.constant 8 : i32
        %mul3A_367 = arith.muli %scan3A_305, %mul3A_366 : i32
        %add3A_368 = arith.constant 3 : i32
        %add3A_369 = arith.addi %mul3A_367, %add3A_368 : i32
        %mul3A_370 = arith.constant 16 : i32
        %mul3A_371 = arith.muli %add3A_369, %mul3A_370 : i32
        %get3A_372 = arith.constant 1 : i32
        %get3A_373 = arith.index_cast %get3A_372 : i32 to index
        %get3A_374 = arith.index_cast %mul3A_371 : i32 to index
        %get3A_375 = tpu.vector_load %arg7[%get3A_373, %get3A_374] {strides = array<i32>} : memref<4x3200xi32, #tpu.memory_space<vmem>>, vector<16xi32>,
        %gather3A_376 = tpu.vector_load_idx %arg5[%get3A_375] : memref<100000xi32, #tpu.memory_space<vmem>>[vector<16xi32>], vector<16xi32>,
        %shift_left3A_377 = arith.constant 16 : i32
        %shift_left3A_378 = vector.broadcast %shift_left3A_377 : i32 to vector<16xi32>
        %shift_left3A_379 = arith.shli %gather3A_376, %shift_left3A_378 : vector<16xi32>
        %bitcast3A_380 = vector.bitcast %shift_left3A_379 : vector<16xi32> to vector<16xf32>
        %and3A_381 = vector.broadcast %scan3A : i32 to vector<16xi32>
        %and3A_382 = arith.andi %gather3A_376, %and3A_381 : vector<16xi32>
        %bitcast3A_383 = vector.bitcast %and3A_382 : vector<16xi32> to vector<16xf32>
        %add3A_384 = arith.addf %add3A_344, %bitcast3A_380 : vector<16xf32>
        %add3A_385 = arith.addf %add3A_345, %bitcast3A_383 : vector<16xf32>
        %mul3A_386 = arith.constant 8 : i32
        %mul3A_387 = arith.muli %scan3A_305, %mul3A_386 : i32
        %add3A_388 = arith.constant 4 : i32
        %add3A_389 = arith.addi %mul3A_387, %add3A_388 : i32
        %mul3A_390 = arith.constant 16 : i32
        %mul3A_391 = arith.muli %add3A_389, %mul3A_390 : i32
        %get3A_392 = arith.constant 1 : i32
        %get3A_393 = arith.index_cast %get3A_392 : i32 to index
        %get3A_394 = arith.index_cast %mul3A_391 : i32 to index
        %get3A_395 = tpu.vector_load %arg7[%get3A_393, %get3A_394] {strides = array<i32>} : memref<4x3200xi32, #tpu.memory_space<vmem>>, vector<16xi32>,
        %gather3A_396 = tpu.vector_load_idx %arg5[%get3A_395] : memref<100000xi32, #tpu.memory_space<vmem>>[vector<16xi32>], vector<16xi32>,
        %shift_left3A_397 = arith.constant 16 : i32
        %shift_left3A_398 = vector.broadcast %shift_left3A_397 : i32 to vector<16xi32>
        %shift_left3A_399 = arith.shli %gather3A_396, %shift_left3A_398 : vector<16xi32>
        %bitcast3A_400 = vector.bitcast %shift_left3A_399 : vector<16xi32> to vector<16xf32>
        %and3A_401 = vector.broadcast %scan3A : i32 to vector<16xi32>
        %and3A_402 = arith.andi %gather3A_396, %and3A_401 : vector<16xi32>
        %bitcast3A_403 = vector.bitcast %and3A_402 : vector<16xi32> to vector<16xf32>
        %add3A_404 = arith.addf %add3A_364, %bitcast3A_400 : vector<16xf32>
        %add3A_405 = arith.addf %add3A_365, %bitcast3A_403 : vector<16xf32>
        %mul3A_406 = arith.constant 8 : i32
        %mul3A_407 = arith.muli %scan3A_305, %mul3A_406 : i32
        %add3A_408 = arith.constant 5 : i32
        %add3A_409 = arith.addi %mul3A_407, %add3A_408 : i32
        %mul3A_410 = arith.constant 16 : i32
        %mul3A_411 = arith.muli %add3A_409, %mul3A_410 : i32
        %get3A_412 = arith.constant 1 : i32
        %get3A_413 = arith.index_cast %get3A_412 : i32 to index
        %get3A_414 = arith.index_cast %mul3A_411 : i32 to index
        %get3A_415 = tpu.vector_load %arg7[%get3A_413, %get3A_414] {strides = array<i32>} : memref<4x3200xi32, #tpu.memory_space<vmem>>, vector<16xi32>,
        %gather3A_416 = tpu.vector_load_idx %arg5[%get3A_415] : memref<100000xi32, #tpu.memory_space<vmem>>[vector<16xi32>], vector<16xi32>,
        %shift_left3A_417 = arith.constant 16 : i32
        %shift_left3A_418 = vector.broadcast %shift_left3A_417 : i32 to vector<16xi32>
        %shift_left3A_419 = arith.shli %gather3A_416, %shift_left3A_418 : vector<16xi32>
        %bitcast3A_420 = vector.bitcast %shift_left3A_419 : vector<16xi32> to vector<16xf32>
        %and3A_421 = vector.broadcast %scan3A : i32 to vector<16xi32>
        %and3A_422 = arith.andi %gather3A_416, %and3A_421 : vector<16xi32>
        %bitcast3A_423 = vector.bitcast %and3A_422 : vector<16xi32> to vector<16xf32>
        %add3A_424 = arith.addf %add3A_384, %bitcast3A_420 : vector<16xf32>
        %add3A_425 = arith.addf %add3A_385, %bitcast3A_423 : vector<16xf32>
        %mul3A_426 = arith.constant 8 : i32
        %mul3A_427 = arith.muli %scan3A_305, %mul3A_426 : i32
        %add3A_428 = arith.constant 6 : i32
        %add3A_429 = arith.addi %mul3A_427, %add3A_428 : i32
        %mul3A_430 = arith.constant 16 : i32
        %mul3A_431 = arith.muli %add3A_429, %mul3A_430 : i32
        %get3A_432 = arith.constant 1 : i32
        %get3A_433 = arith.index_cast %get3A_432 : i32 to index
        %get3A_434 = arith.index_cast %mul3A_431 : i32 to index
        %get3A_435 = tpu.vector_load %arg7[%get3A_433, %get3A_434] {strides = array<i32>} : memref<4x3200xi32, #tpu.memory_space<vmem>>, vector<16xi32>,
        %gather3A_436 = tpu.vector_load_idx %arg5[%get3A_435] : memref<100000xi32, #tpu.memory_space<vmem>>[vector<16xi32>], vector<16xi32>,
        %shift_left3A_437 = arith.constant 16 : i32
        %shift_left3A_438 = vector.broadcast %shift_left3A_437 : i32 to vector<16xi32>
        %shift_left3A_439 = arith.shli %gather3A_436, %shift_left3A_438 : vector<16xi32>
        %bitcast3A_440 = vector.bitcast %shift_left3A_439 : vector<16xi32> to vector<16xf32>
        %and3A_441 = vector.broadcast %scan3A : i32 to vector<16xi32>
        %and3A_442 = arith.andi %gather3A_436, %and3A_441 : vector<16xi32>
        %bitcast3A_443 = vector.bitcast %and3A_442 : vector<16xi32> to vector<16xf32>
        %add3A_444 = arith.addf %add3A_404, %bitcast3A_440 : vector<16xf32>
        %add3A_445 = arith.addf %add3A_405, %bitcast3A_443 : vector<16xf32>
        %mul3A_446 = arith.constant 8 : i32
        %mul3A_447 = arith.muli %scan3A_305, %mul3A_446 : i32
        %add3A_448 = arith.constant 7 : i32
        %add3A_449 = arith.addi %mul3A_447, %add3A_448 : i32
        %mul3A_450 = arith.constant 16 : i32
        %mul3A_451 = arith.muli %add3A_449, %mul3A_450 : i32
        %get3A_452 = arith.constant 1 : i32
        %get3A_453 = arith.index_cast %get3A_452 : i32 to index
        %get3A_454 = arith.index_cast %mul3A_451 : i32 to index
        %get3A_455 = tpu.vector_load %arg7[%get3A_453, %get3A_454] {strides = array<i32>} : memref<4x3200xi32, #tpu.memory_space<vmem>>, vector<16xi32>,
        %gather3A_456 = tpu.vector_load_idx %arg5[%get3A_455] : memref<100000xi32, #tpu.memory_space<vmem>>[vector<16xi32>], vector<16xi32>,
        %shift_left3A_457 = arith.constant 16 : i32
        %shift_left3A_458 = vector.broadcast %shift_left3A_457 : i32 to vector<16xi32>
        %shift_left3A_459 = arith.shli %gather3A_456, %shift_left3A_458 : vector<16xi32>
        %bitcast3A_460 = vector.bitcast %shift_left3A_459 : vector<16xi32> to vector<16xf32>
        %and3A_461 = vector.broadcast %scan3A : i32 to vector<16xi32>
        %and3A_462 = arith.andi %gather3A_456, %and3A_461 : vector<16xi32>
        %bitcast3A_463 = vector.bitcast %and3A_462 : vector<16xi32> to vector<16xf32>
        %add3A_464 = arith.addf %add3A_424, %bitcast3A_460 : vector<16xf32>
        %add3A_465 = arith.addf %add3A_425, %bitcast3A_463 : vector<16xf32>
        scf.yield %add3A_444, %add3A_464, %add3A_445, %add3A_465 : vector<16xf32>, vector<16xf32>, vector<16xf32>, vector<16xf32>
      }
      %scan3A_233 = arith.constant 25 : i32
      %add3A_234 = arith.addf %scan3A_232#0, %scan3A_232#1 : vector<16xf32>
      %mul3A_235 = arith.constant 16 : i32
      %mul3A_236 = arith.muli %add3A_225, %mul3A_235 : i32
      %swap3A_237 = arith.constant 0 : i32
      %swap3A_238 = arith.index_cast %swap3A_237 : i32 to index
      %swap3A_239 = arith.index_cast %mul3A_236 : i32 to index
      %swap3A_240 = tpu.vector_load %arg8[%swap3A_238, %swap3A_239] {strides = array<i32>} : memref<2x256xf32, #tpu.memory_space<vmem>>, vector<16xf32>,
      tpu.vector_store %arg8[%swap3A_238, %swap3A_239], %add3A_234 {strides = array<i32>} : memref<2x256xf32, #tpu.memory_space<vmem>>, vector<16xf32>,
      %add3A_241 = arith.addf %scan3A_232#2, %scan3A_232#3 : vector<16xf32>
      %mul3A_242 = arith.constant 16 : i32
      %mul3A_243 = arith.muli %add3A_225, %mul3A_242 : i32
      %swap3A_244 = arith.constant 1 : i32
      %swap3A_245 = arith.index_cast %swap3A_244 : i32 to index
      %swap3A_246 = arith.index_cast %mul3A_243 : i32 to index
      %swap3A_247 = tpu.vector_load %arg8[%swap3A_245, %swap3A_246] {strides = array<i32>} : memref<2x256xf32, #tpu.memory_space<vmem>>, vector<16xf32>,
      tpu.vector_store %arg8[%swap3A_245, %swap3A_246], %add3A_241 {strides = array<i32>} : memref<2x256xf32, #tpu.memory_space<vmem>>, vector<16xf32>,
      %add3A_248 = arith.constant 1 : i32
      %add3A_249 = arith.addi %mul3A_55, %add3A_248 : i32
      %mul3A_250 = arith.constant 4 : i32
      %mul3A_251 = arith.muli %add3A_249, %mul3A_250 : i32
      %add3A_252 = arith.constant 2 : i32
      %add3A_253 = arith.addi %mul3A_251, %add3A_252 : i32
      %broadcast_in_dim3A_254 = arith.constant 0.000000e+00 : f32
      %broadcast_in_dim3A_255 = vector.broadcast %broadcast_in_dim3A_254 : f32 to vector<16xf32>
      %scan3A_256 = arith.constant 0 : i32
      %scan3A_257 = arith.constant 25 : i32
      %scan3A_258 = arith.addi %scan3A_256, %scan3A_257 : i32
      %scan3A_259 = arith.constant 1 : i32
      %scan3A_260:4 = scf.for %scan3A_305 = %scan3A_256 to %scan3A_258 step %scan3A_259 iter_args(%scan3A_306 = %broadcast_in_dim3A_255, %scan3A_307 = %broadcast_in_dim3A_255, %scan3A_308 = %broadcast_in_dim3A_255, %scan3A_309 = %broadcast_in_dim3A_255) -> (vector<16xf32>, vector<16xf32>, vector<16xf32>, vector<16xf32>)  : i32 {
        %mul3A_310 = arith.constant 8 : i32
        %mul3A_311 = arith.muli %scan3A_305, %mul3A_310 : i32
        %add3A_312 = arith.constant 0 : i32
        %add3A_313 = arith.addi %mul3A_311, %add3A_312 : i32
        %mul3A_314 = arith.constant 16 : i32
        %mul3A_315 = arith.muli %add3A_313, %mul3A_314 : i32
        %get3A = arith.constant 2 : i32
        %get3A_316 = arith.index_cast %get3A : i32 to index
        %get3A_317 = arith.index_cast %mul3A_315 : i32 to index
        %get3A_318 = tpu.vector_load %arg7[%get3A_316, %get3A_317] {strides = array<i32>} : memref<4x3200xi32, #tpu.memory_space<vmem>>, vector<16xi32>,
        %gather3A = tpu.vector_load_idx %arg5[%get3A_318] : memref<100000xi32, #tpu.memory_space<vmem>>[vector<16xi32>], vector<16xi32>,
        %shift_left3A = arith.constant 16 : i32
        %shift_left3A_319 = vector.broadcast %shift_left3A : i32 to vector<16xi32>
        %shift_left3A_320 = arith.shli %gather3A, %shift_left3A_319 : vector<16xi32>
        %bitcast3A = vector.bitcast %shift_left3A_320 : vector<16xi32> to vector<16xf32>
        %and3A_321 = vector.broadcast %scan3A : i32 to vector<16xi32>
        %and3A_322 = arith.andi %gather3A, %and3A_321 : vector<16xi32>
        %bitcast3A_323 = vector.bitcast %and3A_322 : vector<16xi32> to vector<16xf32>
        %add3A_324 = arith.addf %scan3A_306, %bitcast3A : vector<16xf32>
        %add3A_325 = arith.addf %scan3A_308, %bitcast3A_323 : vector<16xf32>
        %mul3A_326 = arith.constant 8 : i32
        %mul3A_327 = arith.muli %scan3A_305, %mul3A_326 : i32
        %add3A_328 = arith.constant 1 : i32
        %add3A_329 = arith.addi %mul3A_327, %add3A_328 : i32
        %mul3A_330 = arith.constant 16 : i32
        %mul3A_331 = arith.muli %add3A_329, %mul3A_330 : i32
        %get3A_332 = arith.constant 2 : i32
        %get3A_333 = arith.index_cast %get3A_332 : i32 to index
        %get3A_334 = arith.index_cast %mul3A_331 : i32 to index
        %get3A_335 = tpu.vector_load %arg7[%get3A_333, %get3A_334] {strides = array<i32>} : memref<4x3200xi32, #tpu.memory_space<vmem>>, vector<16xi32>,
        %gather3A_336 = tpu.vector_load_idx %arg5[%get3A_335] : memref<100000xi32, #tpu.memory_space<vmem>>[vector<16xi32>], vector<16xi32>,
        %shift_left3A_337 = arith.constant 16 : i32
        %shift_left3A_338 = vector.broadcast %shift_left3A_337 : i32 to vector<16xi32>
        %shift_left3A_339 = arith.shli %gather3A_336, %shift_left3A_338 : vector<16xi32>
        %bitcast3A_340 = vector.bitcast %shift_left3A_339 : vector<16xi32> to vector<16xf32>
        %and3A_341 = vector.broadcast %scan3A : i32 to vector<16xi32>
        %and3A_342 = arith.andi %gather3A_336, %and3A_341 : vector<16xi32>
        %bitcast3A_343 = vector.bitcast %and3A_342 : vector<16xi32> to vector<16xf32>
        %add3A_344 = arith.addf %scan3A_307, %bitcast3A_340 : vector<16xf32>
        %add3A_345 = arith.addf %scan3A_309, %bitcast3A_343 : vector<16xf32>
        %mul3A_346 = arith.constant 8 : i32
        %mul3A_347 = arith.muli %scan3A_305, %mul3A_346 : i32
        %add3A_348 = arith.constant 2 : i32
        %add3A_349 = arith.addi %mul3A_347, %add3A_348 : i32
        %mul3A_350 = arith.constant 16 : i32
        %mul3A_351 = arith.muli %add3A_349, %mul3A_350 : i32
        %get3A_352 = arith.constant 2 : i32
        %get3A_353 = arith.index_cast %get3A_352 : i32 to index
        %get3A_354 = arith.index_cast %mul3A_351 : i32 to index
        %get3A_355 = tpu.vector_load %arg7[%get3A_353, %get3A_354] {strides = array<i32>} : memref<4x3200xi32, #tpu.memory_space<vmem>>, vector<16xi32>,
        %gather3A_356 = tpu.vector_load_idx %arg5[%get3A_355] : memref<100000xi32, #tpu.memory_space<vmem>>[vector<16xi32>], vector<16xi32>,
        %shift_left3A_357 = arith.constant 16 : i32
        %shift_left3A_358 = vector.broadcast %shift_left3A_357 : i32 to vector<16xi32>
        %shift_left3A_359 = arith.shli %gather3A_356, %shift_left3A_358 : vector<16xi32>
        %bitcast3A_360 = vector.bitcast %shift_left3A_359 : vector<16xi32> to vector<16xf32>
        %and3A_361 = vector.broadcast %scan3A : i32 to vector<16xi32>
        %and3A_362 = arith.andi %gather3A_356, %and3A_361 : vector<16xi32>
        %bitcast3A_363 = vector.bitcast %and3A_362 : vector<16xi32> to vector<16xf32>
        %add3A_364 = arith.addf %add3A_324, %bitcast3A_360 : vector<16xf32>
        %add3A_365 = arith.addf %add3A_325, %bitcast3A_363 : vector<16xf32>
        %mul3A_366 = arith.constant 8 : i32
        %mul3A_367 = arith.muli %scan3A_305, %mul3A_366 : i32
        %add3A_368 = arith.constant 3 : i32
        %add3A_369 = arith.addi %mul3A_367, %add3A_368 : i32
        %mul3A_370 = arith.constant 16 : i32
        %mul3A_371 = arith.muli %add3A_369, %mul3A_370 : i32
        %get3A_372 = arith.constant 2 : i32
        %get3A_373 = arith.index_cast %get3A_372 : i32 to index
        %get3A_374 = arith.index_cast %mul3A_371 : i32 to index
        %get3A_375 = tpu.vector_load %arg7[%get3A_373, %get3A_374] {strides = array<i32>} : memref<4x3200xi32, #tpu.memory_space<vmem>>, vector<16xi32>,
        %gather3A_376 = tpu.vector_load_idx %arg5[%get3A_375] : memref<100000xi32, #tpu.memory_space<vmem>>[vector<16xi32>], vector<16xi32>,
        %shift_left3A_377 = arith.constant 16 : i32
        %shift_left3A_378 = vector.broadcast %shift_left3A_377 : i32 to vector<16xi32>
        %shift_left3A_379 = arith.shli %gather3A_376, %shift_left3A_378 : vector<16xi32>
        %bitcast3A_380 = vector.bitcast %shift_left3A_379 : vector<16xi32> to vector<16xf32>
        %and3A_381 = vector.broadcast %scan3A : i32 to vector<16xi32>
        %and3A_382 = arith.andi %gather3A_376, %and3A_381 : vector<16xi32>
        %bitcast3A_383 = vector.bitcast %and3A_382 : vector<16xi32> to vector<16xf32>
        %add3A_384 = arith.addf %add3A_344, %bitcast3A_380 : vector<16xf32>
        %add3A_385 = arith.addf %add3A_345, %bitcast3A_383 : vector<16xf32>
        %mul3A_386 = arith.constant 8 : i32
        %mul3A_387 = arith.muli %scan3A_305, %mul3A_386 : i32
        %add3A_388 = arith.constant 4 : i32
        %add3A_389 = arith.addi %mul3A_387, %add3A_388 : i32
        %mul3A_390 = arith.constant 16 : i32
        %mul3A_391 = arith.muli %add3A_389, %mul3A_390 : i32
        %get3A_392 = arith.constant 2 : i32
        %get3A_393 = arith.index_cast %get3A_392 : i32 to index
        %get3A_394 = arith.index_cast %mul3A_391 : i32 to index
        %get3A_395 = tpu.vector_load %arg7[%get3A_393, %get3A_394] {strides = array<i32>} : memref<4x3200xi32, #tpu.memory_space<vmem>>, vector<16xi32>,
        %gather3A_396 = tpu.vector_load_idx %arg5[%get3A_395] : memref<100000xi32, #tpu.memory_space<vmem>>[vector<16xi32>], vector<16xi32>,
        %shift_left3A_397 = arith.constant 16 : i32
        %shift_left3A_398 = vector.broadcast %shift_left3A_397 : i32 to vector<16xi32>
        %shift_left3A_399 = arith.shli %gather3A_396, %shift_left3A_398 : vector<16xi32>
        %bitcast3A_400 = vector.bitcast %shift_left3A_399 : vector<16xi32> to vector<16xf32>
        %and3A_401 = vector.broadcast %scan3A : i32 to vector<16xi32>
        %and3A_402 = arith.andi %gather3A_396, %and3A_401 : vector<16xi32>
        %bitcast3A_403 = vector.bitcast %and3A_402 : vector<16xi32> to vector<16xf32>
        %add3A_404 = arith.addf %add3A_364, %bitcast3A_400 : vector<16xf32>
        %add3A_405 = arith.addf %add3A_365, %bitcast3A_403 : vector<16xf32>
        %mul3A_406 = arith.constant 8 : i32
        %mul3A_407 = arith.muli %scan3A_305, %mul3A_406 : i32
        %add3A_408 = arith.constant 5 : i32
        %add3A_409 = arith.addi %mul3A_407, %add3A_408 : i32
        %mul3A_410 = arith.constant 16 : i32
        %mul3A_411 = arith.muli %add3A_409, %mul3A_410 : i32
        %get3A_412 = arith.constant 2 : i32
        %get3A_413 = arith.index_cast %get3A_412 : i32 to index
        %get3A_414 = arith.index_cast %mul3A_411 : i32 to index
        %get3A_415 = tpu.vector_load %arg7[%get3A_413, %get3A_414] {strides = array<i32>} : memref<4x3200xi32, #tpu.memory_space<vmem>>, vector<16xi32>,
        %gather3A_416 = tpu.vector_load_idx %arg5[%get3A_415] : memref<100000xi32, #tpu.memory_space<vmem>>[vector<16xi32>], vector<16xi32>,
        %shift_left3A_417 = arith.constant 16 : i32
        %shift_left3A_418 = vector.broadcast %shift_left3A_417 : i32 to vector<16xi32>
        %shift_left3A_419 = arith.shli %gather3A_416, %shift_left3A_418 : vector<16xi32>
        %bitcast3A_420 = vector.bitcast %shift_left3A_419 : vector<16xi32> to vector<16xf32>
        %and3A_421 = vector.broadcast %scan3A : i32 to vector<16xi32>
        %and3A_422 = arith.andi %gather3A_416, %and3A_421 : vector<16xi32>
        %bitcast3A_423 = vector.bitcast %and3A_422 : vector<16xi32> to vector<16xf32>
        %add3A_424 = arith.addf %add3A_384, %bitcast3A_420 : vector<16xf32>
        %add3A_425 = arith.addf %add3A_385, %bitcast3A_423 : vector<16xf32>
        %mul3A_426 = arith.constant 8 : i32
        %mul3A_427 = arith.muli %scan3A_305, %mul3A_426 : i32
        %add3A_428 = arith.constant 6 : i32
        %add3A_429 = arith.addi %mul3A_427, %add3A_428 : i32
        %mul3A_430 = arith.constant 16 : i32
        %mul3A_431 = arith.muli %add3A_429, %mul3A_430 : i32
        %get3A_432 = arith.constant 2 : i32
        %get3A_433 = arith.index_cast %get3A_432 : i32 to index
        %get3A_434 = arith.index_cast %mul3A_431 : i32 to index
        %get3A_435 = tpu.vector_load %arg7[%get3A_433, %get3A_434] {strides = array<i32>} : memref<4x3200xi32, #tpu.memory_space<vmem>>, vector<16xi32>,
        %gather3A_436 = tpu.vector_load_idx %arg5[%get3A_435] : memref<100000xi32, #tpu.memory_space<vmem>>[vector<16xi32>], vector<16xi32>,
        %shift_left3A_437 = arith.constant 16 : i32
        %shift_left3A_438 = vector.broadcast %shift_left3A_437 : i32 to vector<16xi32>
        %shift_left3A_439 = arith.shli %gather3A_436, %shift_left3A_438 : vector<16xi32>
        %bitcast3A_440 = vector.bitcast %shift_left3A_439 : vector<16xi32> to vector<16xf32>
        %and3A_441 = vector.broadcast %scan3A : i32 to vector<16xi32>
        %and3A_442 = arith.andi %gather3A_436, %and3A_441 : vector<16xi32>
        %bitcast3A_443 = vector.bitcast %and3A_442 : vector<16xi32> to vector<16xf32>
        %add3A_444 = arith.addf %add3A_404, %bitcast3A_440 : vector<16xf32>
        %add3A_445 = arith.addf %add3A_405, %bitcast3A_443 : vector<16xf32>
        %mul3A_446 = arith.constant 8 : i32
        %mul3A_447 = arith.muli %scan3A_305, %mul3A_446 : i32
        %add3A_448 = arith.constant 7 : i32
        %add3A_449 = arith.addi %mul3A_447, %add3A_448 : i32
        %mul3A_450 = arith.constant 16 : i32
        %mul3A_451 = arith.muli %add3A_449, %mul3A_450 : i32
        %get3A_452 = arith.constant 2 : i32
        %get3A_453 = arith.index_cast %get3A_452 : i32 to index
        %get3A_454 = arith.index_cast %mul3A_451 : i32 to index
        %get3A_455 = tpu.vector_load %arg7[%get3A_453, %get3A_454] {strides = array<i32>} : memref<4x3200xi32, #tpu.memory_space<vmem>>, vector<16xi32>,
        %gather3A_456 = tpu.vector_load_idx %arg5[%get3A_455] : memref<100000xi32, #tpu.memory_space<vmem>>[vector<16xi32>], vector<16xi32>,
        %shift_left3A_457 = arith.constant 16 : i32
        %shift_left3A_458 = vector.broadcast %shift_left3A_457 : i32 to vector<16xi32>
        %shift_left3A_459 = arith.shli %gather3A_456, %shift_left3A_458 : vector<16xi32>
        %bitcast3A_460 = vector.bitcast %shift_left3A_459 : vector<16xi32> to vector<16xf32>
        %and3A_461 = vector.broadcast %scan3A : i32 to vector<16xi32>
        %and3A_462 = arith.andi %gather3A_456, %and3A_461 : vector<16xi32>
        %bitcast3A_463 = vector.bitcast %and3A_462 : vector<16xi32> to vector<16xf32>
        %add3A_464 = arith.addf %add3A_424, %bitcast3A_460 : vector<16xf32>
        %add3A_465 = arith.addf %add3A_425, %bitcast3A_463 : vector<16xf32>
        scf.yield %add3A_444, %add3A_464, %add3A_445, %add3A_465 : vector<16xf32>, vector<16xf32>, vector<16xf32>, vector<16xf32>
      }
      %scan3A_261 = arith.constant 25 : i32
      %add3A_262 = arith.addf %scan3A_260#0, %scan3A_260#1 : vector<16xf32>
      %mul3A_263 = arith.constant 16 : i32
      %mul3A_264 = arith.muli %add3A_253, %mul3A_263 : i32
      %swap3A_265 = arith.constant 0 : i32
      %swap3A_266 = arith.index_cast %swap3A_265 : i32 to index
      %swap3A_267 = arith.index_cast %mul3A_264 : i32 to index
      %swap3A_268 = tpu.vector_load %arg8[%swap3A_266, %swap3A_267] {strides = array<i32>} : memref<2x256xf32, #tpu.memory_space<vmem>>, vector<16xf32>,
      tpu.vector_store %arg8[%swap3A_266, %swap3A_267], %add3A_262 {strides = array<i32>} : memref<2x256xf32, #tpu.memory_space<vmem>>, vector<16xf32>,
      %add3A_269 = arith.addf %scan3A_260#2, %scan3A_260#3 : vector<16xf32>
      %mul3A_270 = arith.constant 16 : i32
      %mul3A_271 = arith.muli %add3A_253, %mul3A_270 : i32
      %swap3A_272 = arith.constant 1 : i32
      %swap3A_273 = arith.index_cast %swap3A_272 : i32 to index
      %swap3A_274 = arith.index_cast %mul3A_271 : i32 to index
      %swap3A_275 = tpu.vector_load %arg8[%swap3A_273, %swap3A_274] {strides = array<i32>} : memref<2x256xf32, #tpu.memory_space<vmem>>, vector<16xf32>,
      tpu.vector_store %arg8[%swap3A_273, %swap3A_274], %add3A_269 {strides = array<i32>} : memref<2x256xf32, #tpu.memory_space<vmem>>, vector<16xf32>,
      %add3A_276 = arith.constant 1 : i32
      %add3A_277 = arith.addi %mul3A_55, %add3A_276 : i32
      %mul3A_278 = arith.constant 4 : i32
      %mul3A_279 = arith.muli %add3A_277, %mul3A_278 : i32
      %add3A_280 = arith.constant 3 : i32
      %add3A_281 = arith.addi %mul3A_279, %add3A_280 : i32
      %broadcast_in_dim3A_282 = arith.constant 0.000000e+00 : f32
      %broadcast_in_dim3A_283 = vector.broadcast %broadcast_in_dim3A_282 : f32 to vector<16xf32>
      %scan3A_284 = arith.constant 0 : i32
      %scan3A_285 = arith.constant 25 : i32
      %scan3A_286 = arith.addi %scan3A_284, %scan3A_285 : i32
      %scan3A_287 = arith.constant 1 : i32
      %scan3A_288:4 = scf.for %scan3A_305 = %scan3A_284 to %scan3A_286 step %scan3A_287 iter_args(%scan3A_306 = %broadcast_in_dim3A_283, %scan3A_307 = %broadcast_in_dim3A_283, %scan3A_308 = %broadcast_in_dim3A_283, %scan3A_309 = %broadcast_in_dim3A_283) -> (vector<16xf32>, vector<16xf32>, vector<16xf32>, vector<16xf32>)  : i32 {
        %mul3A_310 = arith.constant 8 : i32
        %mul3A_311 = arith.muli %scan3A_305, %mul3A_310 : i32
        %add3A_312 = arith.constant 0 : i32
        %add3A_313 = arith.addi %mul3A_311, %add3A_312 : i32
        %mul3A_314 = arith.constant 16 : i32
        %mul3A_315 = arith.muli %add3A_313, %mul3A_314 : i32
        %get3A = arith.constant 3 : i32
        %get3A_316 = arith.index_cast %get3A : i32 to index
        %get3A_317 = arith.index_cast %mul3A_315 : i32 to index
        %get3A_318 = tpu.vector_load %arg7[%get3A_316, %get3A_317] {strides = array<i32>} : memref<4x3200xi32, #tpu.memory_space<vmem>>, vector<16xi32>,
        %gather3A = tpu.vector_load_idx %arg5[%get3A_318] : memref<100000xi32, #tpu.memory_space<vmem>>[vector<16xi32>], vector<16xi32>,
        %shift_left3A = arith.constant 16 : i32
        %shift_left3A_319 = vector.broadcast %shift_left3A : i32 to vector<16xi32>
        %shift_left3A_320 = arith.shli %gather3A, %shift_left3A_319 : vector<16xi32>
        %bitcast3A = vector.bitcast %shift_left3A_320 : vector<16xi32> to vector<16xf32>
        %and3A_321 = vector.broadcast %scan3A : i32 to vector<16xi32>
        %and3A_322 = arith.andi %gather3A, %and3A_321 : vector<16xi32>
        %bitcast3A_323 = vector.bitcast %and3A_322 : vector<16xi32> to vector<16xf32>
        %add3A_324 = arith.addf %scan3A_306, %bitcast3A : vector<16xf32>
        %add3A_325 = arith.addf %scan3A_308, %bitcast3A_323 : vector<16xf32>
        %mul3A_326 = arith.constant 8 : i32
        %mul3A_327 = arith.muli %scan3A_305, %mul3A_326 : i32
        %add3A_328 = arith.constant 1 : i32
        %add3A_329 = arith.addi %mul3A_327, %add3A_328 : i32
        %mul3A_330 = arith.constant 16 : i32
        %mul3A_331 = arith.muli %add3A_329, %mul3A_330 : i32
        %get3A_332 = arith.constant 3 : i32
        %get3A_333 = arith.index_cast %get3A_332 : i32 to index
        %get3A_334 = arith.index_cast %mul3A_331 : i32 to index
        %get3A_335 = tpu.vector_load %arg7[%get3A_333, %get3A_334] {strides = array<i32>} : memref<4x3200xi32, #tpu.memory_space<vmem>>, vector<16xi32>,
        %gather3A_336 = tpu.vector_load_idx %arg5[%get3A_335] : memref<100000xi32, #tpu.memory_space<vmem>>[vector<16xi32>], vector<16xi32>,
        %shift_left3A_337 = arith.constant 16 : i32
        %shift_left3A_338 = vector.broadcast %shift_left3A_337 : i32 to vector<16xi32>
        %shift_left3A_339 = arith.shli %gather3A_336, %shift_left3A_338 : vector<16xi32>
        %bitcast3A_340 = vector.bitcast %shift_left3A_339 : vector<16xi32> to vector<16xf32>
        %and3A_341 = vector.broadcast %scan3A : i32 to vector<16xi32>
        %and3A_342 = arith.andi %gather3A_336, %and3A_341 : vector<16xi32>
        %bitcast3A_343 = vector.bitcast %and3A_342 : vector<16xi32> to vector<16xf32>
        %add3A_344 = arith.addf %scan3A_307, %bitcast3A_340 : vector<16xf32>
        %add3A_345 = arith.addf %scan3A_309, %bitcast3A_343 : vector<16xf32>
        %mul3A_346 = arith.constant 8 : i32
        %mul3A_347 = arith.muli %scan3A_305, %mul3A_346 : i32
        %add3A_348 = arith.constant 2 : i32
        %add3A_349 = arith.addi %mul3A_347, %add3A_348 : i32
        %mul3A_350 = arith.constant 16 : i32
        %mul3A_351 = arith.muli %add3A_349, %mul3A_350 : i32
        %get3A_352 = arith.constant 3 : i32
        %get3A_353 = arith.index_cast %get3A_352 : i32 to index
        %get3A_354 = arith.index_cast %mul3A_351 : i32 to index
        %get3A_355 = tpu.vector_load %arg7[%get3A_353, %get3A_354] {strides = array<i32>} : memref<4x3200xi32, #tpu.memory_space<vmem>>, vector<16xi32>,
        %gather3A_356 = tpu.vector_load_idx %arg5[%get3A_355] : memref<100000xi32, #tpu.memory_space<vmem>>[vector<16xi32>], vector<16xi32>,
        %shift_left3A_357 = arith.constant 16 : i32
        %shift_left3A_358 = vector.broadcast %shift_left3A_357 : i32 to vector<16xi32>
        %shift_left3A_359 = arith.shli %gather3A_356, %shift_left3A_358 : vector<16xi32>
        %bitcast3A_360 = vector.bitcast %shift_left3A_359 : vector<16xi32> to vector<16xf32>
        %and3A_361 = vector.broadcast %scan3A : i32 to vector<16xi32>
        %and3A_362 = arith.andi %gather3A_356, %and3A_361 : vector<16xi32>
        %bitcast3A_363 = vector.bitcast %and3A_362 : vector<16xi32> to vector<16xf32>
        %add3A_364 = arith.addf %add3A_324, %bitcast3A_360 : vector<16xf32>
        %add3A_365 = arith.addf %add3A_325, %bitcast3A_363 : vector<16xf32>
        %mul3A_366 = arith.constant 8 : i32
        %mul3A_367 = arith.muli %scan3A_305, %mul3A_366 : i32
        %add3A_368 = arith.constant 3 : i32
        %add3A_369 = arith.addi %mul3A_367, %add3A_368 : i32
        %mul3A_370 = arith.constant 16 : i32
        %mul3A_371 = arith.muli %add3A_369, %mul3A_370 : i32
        %get3A_372 = arith.constant 3 : i32
        %get3A_373 = arith.index_cast %get3A_372 : i32 to index
        %get3A_374 = arith.index_cast %mul3A_371 : i32 to index
        %get3A_375 = tpu.vector_load %arg7[%get3A_373, %get3A_374] {strides = array<i32>} : memref<4x3200xi32, #tpu.memory_space<vmem>>, vector<16xi32>,
        %gather3A_376 = tpu.vector_load_idx %arg5[%get3A_375] : memref<100000xi32, #tpu.memory_space<vmem>>[vector<16xi32>], vector<16xi32>,
        %shift_left3A_377 = arith.constant 16 : i32
        %shift_left3A_378 = vector.broadcast %shift_left3A_377 : i32 to vector<16xi32>
        %shift_left3A_379 = arith.shli %gather3A_376, %shift_left3A_378 : vector<16xi32>
        %bitcast3A_380 = vector.bitcast %shift_left3A_379 : vector<16xi32> to vector<16xf32>
        %and3A_381 = vector.broadcast %scan3A : i32 to vector<16xi32>
        %and3A_382 = arith.andi %gather3A_376, %and3A_381 : vector<16xi32>
        %bitcast3A_383 = vector.bitcast %and3A_382 : vector<16xi32> to vector<16xf32>
        %add3A_384 = arith.addf %add3A_344, %bitcast3A_380 : vector<16xf32>
        %add3A_385 = arith.addf %add3A_345, %bitcast3A_383 : vector<16xf32>
        %mul3A_386 = arith.constant 8 : i32
        %mul3A_387 = arith.muli %scan3A_305, %mul3A_386 : i32
        %add3A_388 = arith.constant 4 : i32
        %add3A_389 = arith.addi %mul3A_387, %add3A_388 : i32
        %mul3A_390 = arith.constant 16 : i32
        %mul3A_391 = arith.muli %add3A_389, %mul3A_390 : i32
        %get3A_392 = arith.constant 3 : i32
        %get3A_393 = arith.index_cast %get3A_392 : i32 to index
        %get3A_394 = arith.index_cast %mul3A_391 : i32 to index
        %get3A_395 = tpu.vector_load %arg7[%get3A_393, %get3A_394] {strides = array<i32>} : memref<4x3200xi32, #tpu.memory_space<vmem>>, vector<16xi32>,
        %gather3A_396 = tpu.vector_load_idx %arg5[%get3A_395] : memref<100000xi32, #tpu.memory_space<vmem>>[vector<16xi32>], vector<16xi32>,
        %shift_left3A_397 = arith.constant 16 : i32
        %shift_left3A_398 = vector.broadcast %shift_left3A_397 : i32 to vector<16xi32>
        %shift_left3A_399 = arith.shli %gather3A_396, %shift_left3A_398 : vector<16xi32>
        %bitcast3A_400 = vector.bitcast %shift_left3A_399 : vector<16xi32> to vector<16xf32>
        %and3A_401 = vector.broadcast %scan3A : i32 to vector<16xi32>
        %and3A_402 = arith.andi %gather3A_396, %and3A_401 : vector<16xi32>
        %bitcast3A_403 = vector.bitcast %and3A_402 : vector<16xi32> to vector<16xf32>
        %add3A_404 = arith.addf %add3A_364, %bitcast3A_400 : vector<16xf32>
        %add3A_405 = arith.addf %add3A_365, %bitcast3A_403 : vector<16xf32>
        %mul3A_406 = arith.constant 8 : i32
        %mul3A_407 = arith.muli %scan3A_305, %mul3A_406 : i32
        %add3A_408 = arith.constant 5 : i32
        %add3A_409 = arith.addi %mul3A_407, %add3A_408 : i32
        %mul3A_410 = arith.constant 16 : i32
        %mul3A_411 = arith.muli %add3A_409, %mul3A_410 : i32
        %get3A_412 = arith.constant 3 : i32
        %get3A_413 = arith.index_cast %get3A_412 : i32 to index
        %get3A_414 = arith.index_cast %mul3A_411 : i32 to index
        %get3A_415 = tpu.vector_load %arg7[%get3A_413, %get3A_414] {strides = array<i32>} : memref<4x3200xi32, #tpu.memory_space<vmem>>, vector<16xi32>,
        %gather3A_416 = tpu.vector_load_idx %arg5[%get3A_415] : memref<100000xi32, #tpu.memory_space<vmem>>[vector<16xi32>], vector<16xi32>,
        %shift_left3A_417 = arith.constant 16 : i32
        %shift_left3A_418 = vector.broadcast %shift_left3A_417 : i32 to vector<16xi32>
        %shift_left3A_419 = arith.shli %gather3A_416, %shift_left3A_418 : vector<16xi32>
        %bitcast3A_420 = vector.bitcast %shift_left3A_419 : vector<16xi32> to vector<16xf32>
        %and3A_421 = vector.broadcast %scan3A : i32 to vector<16xi32>
        %and3A_422 = arith.andi %gather3A_416, %and3A_421 : vector<16xi32>
        %bitcast3A_423 = vector.bitcast %and3A_422 : vector<16xi32> to vector<16xf32>
        %add3A_424 = arith.addf %add3A_384, %bitcast3A_420 : vector<16xf32>
        %add3A_425 = arith.addf %add3A_385, %bitcast3A_423 : vector<16xf32>
        %mul3A_426 = arith.constant 8 : i32
        %mul3A_427 = arith.muli %scan3A_305, %mul3A_426 : i32
        %add3A_428 = arith.constant 6 : i32
        %add3A_429 = arith.addi %mul3A_427, %add3A_428 : i32
        %mul3A_430 = arith.constant 16 : i32
        %mul3A_431 = arith.muli %add3A_429, %mul3A_430 : i32
        %get3A_432 = arith.constant 3 : i32
        %get3A_433 = arith.index_cast %get3A_432 : i32 to index
        %get3A_434 = arith.index_cast %mul3A_431 : i32 to index
        %get3A_435 = tpu.vector_load %arg7[%get3A_433, %get3A_434] {strides = array<i32>} : memref<4x3200xi32, #tpu.memory_space<vmem>>, vector<16xi32>,
        %gather3A_436 = tpu.vector_load_idx %arg5[%get3A_435] : memref<100000xi32, #tpu.memory_space<vmem>>[vector<16xi32>], vector<16xi32>,
        %shift_left3A_437 = arith.constant 16 : i32
        %shift_left3A_438 = vector.broadcast %shift_left3A_437 : i32 to vector<16xi32>
        %shift_left3A_439 = arith.shli %gather3A_436, %shift_left3A_438 : vector<16xi32>
        %bitcast3A_440 = vector.bitcast %shift_left3A_439 : vector<16xi32> to vector<16xf32>
        %and3A_441 = vector.broadcast %scan3A : i32 to vector<16xi32>
        %and3A_442 = arith.andi %gather3A_436, %and3A_441 : vector<16xi32>
        %bitcast3A_443 = vector.bitcast %and3A_442 : vector<16xi32> to vector<16xf32>
        %add3A_444 = arith.addf %add3A_404, %bitcast3A_440 : vector<16xf32>
        %add3A_445 = arith.addf %add3A_405, %bitcast3A_443 : vector<16xf32>
        %mul3A_446 = arith.constant 8 : i32
        %mul3A_447 = arith.muli %scan3A_305, %mul3A_446 : i32
        %add3A_448 = arith.constant 7 : i32
        %add3A_449 = arith.addi %mul3A_447, %add3A_448 : i32
        %mul3A_450 = arith.constant 16 : i32
        %mul3A_451 = arith.muli %add3A_449, %mul3A_450 : i32
        %get3A_452 = arith.constant 3 : i32
        %get3A_453 = arith.index_cast %get3A_452 : i32 to index
        %get3A_454 = arith.index_cast %mul3A_451 : i32 to index
        %get3A_455 = tpu.vector_load %arg7[%get3A_453, %get3A_454] {strides = array<i32>} : memref<4x3200xi32, #tpu.memory_space<vmem>>, vector<16xi32>,
        %gather3A_456 = tpu.vector_load_idx %arg5[%get3A_455] : memref<100000xi32, #tpu.memory_space<vmem>>[vector<16xi32>], vector<16xi32>,
        %shift_left3A_457 = arith.constant 16 : i32
        %shift_left3A_458 = vector.broadcast %shift_left3A_457 : i32 to vector<16xi32>
        %shift_left3A_459 = arith.shli %gather3A_456, %shift_left3A_458 : vector<16xi32>
        %bitcast3A_460 = vector.bitcast %shift_left3A_459 : vector<16xi32> to vector<16xf32>
        %and3A_461 = vector.broadcast %scan3A : i32 to vector<16xi32>
        %and3A_462 = arith.andi %gather3A_456, %and3A_461 : vector<16xi32>
        %bitcast3A_463 = vector.bitcast %and3A_462 : vector<16xi32> to vector<16xf32>
        %add3A_464 = arith.addf %add3A_424, %bitcast3A_460 : vector<16xf32>
        %add3A_465 = arith.addf %add3A_425, %bitcast3A_463 : vector<16xf32>
        scf.yield %add3A_444, %add3A_464, %add3A_445, %add3A_465 : vector<16xf32>, vector<16xf32>, vector<16xf32>, vector<16xf32>
      }
      %scan3A_289 = arith.constant 25 : i32
      %add3A_290 = arith.addf %scan3A_288#0, %scan3A_288#1 : vector<16xf32>
      %mul3A_291 = arith.constant 16 : i32
      %mul3A_292 = arith.muli %add3A_281, %mul3A_291 : i32
      %swap3A_293 = arith.constant 0 : i32
      %swap3A_294 = arith.index_cast %swap3A_293 : i32 to index
      %swap3A_295 = arith.index_cast %mul3A_292 : i32 to index
      %swap3A_296 = tpu.vector_load %arg8[%swap3A_294, %swap3A_295] {strides = array<i32>} : memref<2x256xf32, #tpu.memory_space<vmem>>, vector<16xf32>,
      tpu.vector_store %arg8[%swap3A_294, %swap3A_295], %add3A_290 {strides = array<i32>} : memref<2x256xf32, #tpu.memory_space<vmem>>, vector<16xf32>,
      %add3A_297 = arith.addf %scan3A_288#2, %scan3A_288#3 : vector<16xf32>
      %mul3A_298 = arith.constant 16 : i32
      %mul3A_299 = arith.muli %add3A_281, %mul3A_298 : i32
      %swap3A_300 = arith.constant 1 : i32
      %swap3A_301 = arith.index_cast %swap3A_300 : i32 to index
      %swap3A_302 = arith.index_cast %mul3A_299 : i32 to index
      %swap3A_303 = tpu.vector_load %arg8[%swap3A_301, %swap3A_302] {strides = array<i32>} : memref<2x256xf32, #tpu.memory_space<vmem>>, vector<16xf32>,
      tpu.vector_store %arg8[%swap3A_301, %swap3A_302], %add3A_297 {strides = array<i32>} : memref<2x256xf32, #tpu.memory_space<vmem>>, vector<16xf32>,
      %scan3A_304 = arith.constant 0 : i32
      scf.yield %scan3A_304 : i32
    }
    %scan3A_44 = arith.constant 2 : i32
    %dma_wait3A = arith.constant 0 : i32
    %dma_wait3A_45 = arith.constant 0 : i32
    %dma_wait3A_46 = tpu.memref_slice %arg3[%dma_wait3A, %dma_wait3A_45] : memref<256x3200xi32, #tpu.memory_space<hbm>> -> memref<4x3200xi32, #tpu.memory_space<hbm>>
    %dma_wait3A_47 = arith.constant 0 : i32
    %dma_wait3A_48 = arith.constant 0 : i32
    %dma_wait3A_49 = tpu.memref_slice %arg3[%dma_wait3A_47, %dma_wait3A_48] : memref<256x3200xi32, #tpu.memory_space<hbm>> -> memref<4x3200xi32, #tpu.memory_space<hbm>>
    tpu.wait_dma2 semaphore(%arg9 : memref<!tpu.dma_semaphore, #tpu.memory_space<semaphore_mem>>) src(%dma_wait3A_49 : memref<4x3200xi32, #tpu.memory_space<hbm>>) dst(%arg6 : memref<4x3200xi32, #tpu.memory_space<vmem>>)
    %mul3A_50 = arith.constant 256 : i32
    %mul3A_51 = arith.muli %select_n3A_30, %mul3A_50 : i32
    "tpu.region"() ({
      %run_scoped3A = tpu.sem_alloc : memref<!tpu.dma_semaphore, #tpu.memory_space<semaphore_mem>>
      %dma_start3A_52 = arith.constant 0 : i32
      %dma_start3A_53 = tpu.memref_slice %arg4[%select_n3A, %dma_start3A_52, %mul3A_51] : memref<2x2x4096xf32, #tpu.memory_space<hbm>> -> memref<1x2x256xf32, #tpu.memory_space<hbm>>
      %dma_start3A_54 = tpu.memref_squeeze %dma_start3A_53 : memref<1x2x256xf32, #tpu.memory_space<hbm>> -> memref<2x256xf32, #tpu.memory_space<hbm>>
      %dma_start3A_55 = arith.constant 0 : i32
      %dma_start3A_56 = tpu.memref_slice %arg4[%select_n3A, %dma_start3A_55, %mul3A_51] : memref<2x2x4096xf32, #tpu.memory_space<hbm>> -> memref<1x2x256xf32, #tpu.memory_space<hbm>>
      %dma_start3A_57 = tpu.memref_squeeze %dma_start3A_56 : memref<1x2x256xf32, #tpu.memory_space<hbm>> -> memref<2x256xf32, #tpu.memory_space<hbm>>
      tpu.enqueue_dma source(%arg8 : memref<2x256xf32, #tpu.memory_space<vmem>>) target(%dma_start3A_57 : memref<2x256xf32, #tpu.memory_space<hbm>>) target_semaphore(%run_scoped3A : memref<!tpu.dma_semaphore, #tpu.memory_space<semaphore_mem>>)
      %dma_wait3A_58 = arith.constant 0 : i32
      %dma_wait3A_59 = tpu.memref_slice %arg4[%select_n3A, %dma_wait3A_58, %mul3A_51] : memref<2x2x4096xf32, #tpu.memory_space<hbm>> -> memref<1x2x256xf32, #tpu.memory_space<hbm>>
      %dma_wait3A_60 = tpu.memref_squeeze %dma_wait3A_59 : memref<1x2x256xf32, #tpu.memory_space<hbm>> -> memref<2x256xf32, #tpu.memory_space<hbm>>
      %dma_wait3A_61 = arith.constant 0 : i32
      %dma_wait3A_62 = tpu.memref_slice %arg4[%select_n3A, %dma_wait3A_61, %mul3A_51] : memref<2x2x4096xf32, #tpu.memory_space<hbm>> -> memref<1x2x256xf32, #tpu.memory_space<hbm>>
      %dma_wait3A_63 = tpu.memref_squeeze %dma_wait3A_62 : memref<1x2x256xf32, #tpu.memory_space<hbm>> -> memref<2x256xf32, #tpu.memory_space<hbm>>
      tpu.wait_dma2 semaphore(%run_scoped3A : memref<!tpu.dma_semaphore, #tpu.memory_space<semaphore_mem>>) src(%arg8 : memref<2x256xf32, #tpu.memory_space<vmem>>) dst(%dma_wait3A_63 : memref<2x256xf32, #tpu.memory_space<hbm>>)
      tpu.yield
    }) : () -> ()
    return
  }
}

module attributes {stable_mosaic.version = 14 : i64} {
  func.func @_tc_body(%arg0: i32, %arg1: memref<6272x128xf32, #tpu.memory_space<vmem>>, %arg2: memref<4x128xf32, #tpu.memory_space<vmem>>, %arg3: memref<256x200xi32, #tpu.memory_space<vmem>>, %arg4: memref<2x6272xi32, #tpu.memory_space<vmem>>, %arg5: memref<16x3200xi32, #tpu.memory_space<vmem>>) attributes {dimension_semantics = [#tpu.dimension_semantics<arbitrary>], iteration_bounds = array<i64: 16>, scalar_prefetch = 0 : i64, scratch_operands = 0 : i64, tpu.core_type = #tpu.core_type<tc>, window_params = [{transform_indices = @transform_0, window_bounds = array<i64: 6272, 128>}, {pipeline_mode = #tpu.pipeline_mode<synchronous>, transform_indices = @transform_1, window_bounds = array<i64: 4, 128>}, {transform_indices = @transform_2, window_bounds = array<i64: 256, 200>}, {transform_indices = @transform_3, window_bounds = array<i64: 2, 6272>}, {transform_indices = @transform_4, window_bounds = array<i64: 16, 3200>}]} {
    %get3A = arith.constant 0 : index
    %get3A_0 = arith.constant 0 : index
    %get3A_1 = vector.load %arg2[%get3A, %get3A_0] : memref<4x128xf32, #tpu.memory_space<vmem>>, vector<4x128xf32>
    %get3A_2 = arith.constant 0 : index
    %get3A_3 = arith.constant 0 : index
    %get3A_4 = vector.load %arg1[%get3A_2, %get3A_3] : memref<6272x128xf32, #tpu.memory_space<vmem>>, vector<6272x128xf32>
    %dot_general3A = arith.constant dense<0.000000e+00> : vector<4x6272xf32>
    %dot_general3A_5 = tpu.matmul %get3A_1, %get3A_4, %dot_general3A {dimension_numbers = #tpu.dot_dimension_numbers<[1], [1], [0], [0], [0, 0, 1, 0], [], []>, transpose_lhs_hint = false} : vector<4x128xf32>, vector<6272x128xf32>, vector<4x6272xf32> -> vector<4x6272xf32>
    %convert_element_type3A = arith.truncf %dot_general3A_5 : vector<4x6272xf32> to vector<4x6272xbf16>
    %bitcast_convert_type3A = tpu.bitcast %convert_element_type3A : vector<4x6272xbf16> -> vector<4x6272xi16>
    %convert_element_type3A_6 = arith.extui %bitcast_convert_type3A : vector<4x6272xi16> to vector<4x6272xi32>
    %reshape3A = vector.shape_cast %convert_element_type3A_6 : vector<4x6272xi32> to vector<2x2x6272xi32>
    %slice3A = vector.extract_strided_slice %reshape3A {offsets = [0, 0, 0], sizes = [2, 1, 6272], strides = [1, 1, 1]} : vector<2x2x6272xi32> to vector<2x1x6272xi32>
    %squeeze3A = vector.shape_cast %slice3A : vector<2x1x6272xi32> to vector<2x6272xi32>
    %slice3A_7 = vector.extract_strided_slice %reshape3A {offsets = [0, 1, 0], sizes = [2, 1, 6272], strides = [1, 1, 1]} : vector<2x2x6272xi32> to vector<2x1x6272xi32>
    %squeeze3A_8 = vector.shape_cast %slice3A_7 : vector<2x1x6272xi32> to vector<2x6272xi32>
    %shift_left3A = arith.constant 16 : i32
    %shift_left3A_9 = vector.broadcast %shift_left3A : i32 to vector<2x6272xi32>
    %shift_left3A_10 = arith.shli %squeeze3A_8, %shift_left3A_9 : vector<2x6272xi32>
    %or3A = arith.ori %squeeze3A, %shift_left3A_10 : vector<2x6272xi32>
    %bitcast_convert_type3A_11 = tpu.bitcast %or3A : vector<2x6272xi32> -> vector<2x6272xi32>
    %swap3A = arith.constant 0 : index
    %swap3A_12 = arith.constant 0 : index
    %swap3A_13 = vector.load %arg4[%swap3A, %swap3A_12] : memref<2x6272xi32, #tpu.memory_space<vmem>>, vector<2x6272xi32>
    tpu.vector_store %arg4[%swap3A, %swap3A_12], %bitcast_convert_type3A_11 {strides = array<i32>} : memref<2x6272xi32, #tpu.memory_space<vmem>>, vector<2x6272xi32>,
    %get3A_14 = arith.constant 0 : index
    %get3A_15 = arith.constant 0 : index
    %get3A_16 = vector.load %arg3[%get3A_14, %get3A_15] : memref<256x200xi32, #tpu.memory_space<vmem>>, vector<256x200xi32>
    %reshape3A_17 = vector.shape_cast %get3A_16 : vector<256x200xi32> to vector<16x16x200xi32>
    %transpose3A = tpu.transpose %reshape3A_17, [0, 2, 1] : vector<16x16x200xi32> -> vector<16x200x16xi32>
    %reshape3A_18 = vector.shape_cast %transpose3A : vector<16x200x16xi32> to vector<16x3200xi32>
    %swap3A_19 = arith.constant 0 : index
    %swap3A_20 = arith.constant 0 : index
    %swap3A_21 = vector.load %arg5[%swap3A_19, %swap3A_20] : memref<16x3200xi32, #tpu.memory_space<vmem>>, vector<16x3200xi32>
    tpu.vector_store %arg5[%swap3A_19, %swap3A_20], %reshape3A_18 {strides = array<i32>} : memref<16x3200xi32, #tpu.memory_space<vmem>>, vector<16x3200xi32>,
    return
  }
  func.func @transform_0(%arg0: i32) -> (i32, i32) {
    %c0_i32 = arith.constant 0 : i32
    %c0_i32_0 = arith.constant 0 : i32
    return %arg0, %c0_i32 : i32, i32
  }
  func.func @transform_1(%arg0: i32) -> (i32, i32) {
    %c0_i32 = arith.constant 0 : i32
    %c0_i32_0 = arith.constant 0 : i32
    %c0_i32_1 = arith.constant 0 : i32
    return %c0_i32, %c0_i32_0 : i32, i32
  }
  func.func @transform_2(%arg0: i32) -> (i32, i32) {
    %c0_i32 = arith.constant 0 : i32
    %c0_i32_0 = arith.constant 0 : i32
    return %arg0, %c0_i32 : i32, i32
  }
  func.func @transform_3(%arg0: i32) -> (i32, i32) {
    %c0_i32 = arith.constant 0 : i32
    %c0_i32_0 = arith.constant 0 : i32
    return %c0_i32, %arg0 : i32, i32
  }
  func.func @transform_4(%arg0: i32) -> (i32, i32) {
    %c0_i32 = arith.constant 0 : i32
    %c0_i32_0 = arith.constant 0 : i32
    return %arg0, %c0_i32 : i32, i32
  }
}

</mosaic_0001>

<sc_bundles>
// kernel: kernel.4.cloned.1.call-start
scs
__scs_entry_jumppad:
0x0: {  	(pc) =	sbr.rel $0x88, $3  }
0x1: {  	(tag) =	ssettag $0x0;
	lr =	simm.s32 $0x1  }
0x2: {  	[smem:$0x3F9D] =	sst lr;
	_ =	strace $0xD0000000  }
0x3: {  	_ = 	snop  }
0x4: {  	_ = 	snop  }
0x5: {  	_ = 	snop  }
0x6: {  	_ = 	snop  }
0x7: {  	_ = 	snop  }
__scs_overlays_trampoline_lowered:
0x8: {  	[smem:$0x3FAC] =	sst s0  }
0x9: {  	[smem:$0x3FAD] =	sst s1  }
0xa: {  	[smem:$0x3FAE] =	sst s2  }
0xb: {  	[smem:$0x3FAF] =	sst s3  }
0xc: {  	[smem:$0x3FB0] =	sst s4  }
0xd: {  	[smem:$0x3FB1] =	sst s5  }
0xe: {  	[smem:$0x3FB2] =	sst s6  }
0xf: {  	[smem:$0x3FB3] =	sst s7  }
0x10: {  	[smem:$0x3FB4] =	sst s8  }
0x11: {  	[smem:$0x3FB5] =	sst s9;
	s0 =	simm.s32 @!p0 $0x0  }
0x12: {  	s1 =	sld [smem:$0x3F9B];
	s0 =	simm.s32 @p0 $0x1  }
0x13: {  	[smem:$0x3FB6] =	sst s0;
	s0 =	simm.s32 @!p1 $0x0  }
0x14: {  	s2 =	sld [smem:$0x3F9A];
	s0 =	simm.s32 @p1 $0x1  }
0x15: {  	[smem:$0x3FB7] =	sst s0;
	s0 =	simm.s32 @!p2 $0x0  }
0x16: {  	s3 =	sld [smem:$0x3FDB];
	s0 =	simm.s32 @p2 $0x1  }
0x17: {  	s4 =	simm.s32 $0x1BF5;
	[smem:$0x3FB9] =	sst s0  }
0x18: {  	s0 =	sld [smem:$0x3F9C];
	_ =	swait.ge [sflag:s4], $0x0  }
0x19: {  	s7 =	sld [smem:$0x3F9D]  }
0x1a: {  	s8 =	sadd.s32 $0xFFFFE003, lr  }
0x1b: {  	s9 =	sadd.s32 $0xFFFFFEF7, lr;
	s5 =	simm.s32 $0xFFFFFFFF;
	p2 =	slt.u32 s8, $0xFFFFF086  }
0x1c: {  	p1 =	slt.u32 s9, $0xF7A;
	s5 =	simm.s32 @!p2 $0x0  }
0x1d: {  	s5 =	simm.s32 @p1 $0x1;
	p0 =	seq.s32 s7, s2  }
0x1e: {  	s7 =	smul.u32 @!p0 $0xF7A, s2;
	p2 =	seq.s32 @!p0 s5, $0x0  }
0x1f: {  	s9 =	smul.u32 $0xF7A, s1;
	s8 =	simm.s32 @!p0 $0x1BF5;
	p2 =	por !p2, p0  }
0x20: {  	[sflag:s8] =	ssyncset.s32 @!p0 $0xFFFFF086;
	s6 =	sadd.s32 @!p0 s3, s7;
	s7 =	simm.s32 @!p0 $0x108  }
0x21: {  	s3 =	sadd.s32 s3, s9;
	s6 =	sadd.s32 @!p0 $0x88, s6;
	s7 =	simm.s32 @p2 $0x1082  }
0x22: {  	[simem:s7], [sflag:s8] =	dma.local @!p0 [hbm:s6], $0xF7A  }
0x23: {  	s9 =	sor.u32 $0xD0000000, s2;
	s6 =	simm.s32 $0x108;
	_ =	swait.ge @!p0 [sflag:s8], $0x0  }
0x24: {  	s3 =	sadd.s32 $0x88, s3;
	s6 =	simm.s32 @!p1 $0x1082;
	[sflag:s4] =	ssyncset.s32 $0xFFFFF086  }
0x25: {  	[simem:s6], [sflag:s4] =	dma.local [hbm:s3], $0xF7A  }
0x26: {  	[smem:$0x3F9D] =	sst s1;
	(tag) =	ssettag s2;
	_ =	strace s9  }
0x27: {  	s1 =	sld [smem:$0x3FAD]  }
0x28: {  	s2 =	sld [smem:$0x3FAE]  }
0x29: {  	s4 =	sld [smem:$0x3FB0]  }
0x2a: {  	p0 =	seq.s32 s5, $0x0;
	s5 =	sld [smem:$0x3FB1]  }
0x2b: {  	s6 =	sld [smem:$0x3FB2]  }
0x2c: {  	s7 =	sld [smem:$0x3FB3]  }
0x2d: {  	s3 =	simm.s32 $0x108;
	s8 =	sld [smem:$0x3FB4]  }
0x2e: {  	s3 =	simm.s32 @!p0 $0x1082;
	s9 =	sld [smem:$0x3FB5]  }
0x2f: {  	lr =	sadd.s32 s0, s3;
	s0 =	sld [smem:$0x3FAC]  }
0x30: {  	s3 =	sld [smem:$0x3FAF]  }
0x31: {  	[smem:$0x3FB8] =	sst s10  }
0x32: {  	s10 =	sld [smem:$0x3FB6];
	_ =	sdelay $0x3  }
0x33: {  	p0 =	seq.s32 s10, $0x1;
	s10 =	sld [smem:$0x3FB8];
	_ =	sdelay $0x3  }
0x34: {  	[smem:$0x3FB8] =	sst s10  }
0x35: {  	s10 =	sld [smem:$0x3FB7];
	_ =	sdelay $0x3  }
0x36: {  	p1 =	seq.s32 s10, $0x1;
	s10 =	sld [smem:$0x3FB8];
	_ =	sdelay $0x3  }
0x37: {  	[smem:$0x3FB8] =	sst s10  }
0x38: {  	s10 =	sld [smem:$0x3FB9]  }
0x39: {  	_ = 	snop;
	(pc) =	sbr.ind lr, $3  }
0x3a: {  	_ = 	snop  }
0x3b: {  	_ = 	snop  }
0x3c: {  	p2 =	seq.s32 s10, $0x1;
	s10 =	sld [smem:$0x3FB8]  }
0x3d: {  	_ =	shalt  }
0x3e: {  	_ =	shalt  }
0x3f: {  	_ =	shalt  }
0x40: {  	_ =	shalt  }
0x41: {  	_ =	shalt  }
0x42: {  	_ =	shalt  }
0x43: {  	_ =	shalt  }
0x44: {  	_ =	shalt  }
0x45: {  	_ =	shalt  }
0x46: {  	_ =	shalt  }
0x47: {  	_ =	shalt  }
0x48: {  	_ =	shalt  }
0x49: {  	_ =	shalt  }
0x4a: {  	_ =	shalt  }
0x4b: {  	_ =	shalt  }
0x4c: {  	_ =	shalt  }
0x4d: {  	_ =	shalt  }
0x4e: {  	_ =	shalt  }
0x4f: {  	_ =	shalt  }
0x50: {  	_ =	shalt  }
0x51: {  	_ =	shalt  }
0x52: {  	_ =	shalt  }
0x53: {  	_ =	shalt  }
0x54: {  	_ =	shalt  }
0x55: {  	_ =	shalt  }
0x56: {  	_ =	shalt  }
0x57: {  	_ =	shalt  }
0x58: {  	_ =	shalt  }
0x59: {  	_ =	shalt  }
0x5a: {  	_ =	shalt  }
0x5b: {  	_ =	shalt  }
0x5c: {  	_ =	shalt  }
0x5d: {  	_ =	shalt  }
0x5e: {  	_ =	shalt  }
0x5f: {  	_ =	shalt  }
0x60: {  	_ =	shalt  }
0x61: {  	_ =	shalt  }
0x62: {  	_ =	shalt  }
0x63: {  	_ =	shalt  }
0x64: {  	_ =	shalt  }
0x65: {  	_ =	shalt  }
0x66: {  	_ =	shalt  }
0x67: {  	_ =	shalt  }
0x68: {  	_ =	shalt  }
0x69: {  	_ =	shalt  }
0x6a: {  	_ =	shalt  }
0x6b: {  	_ =	shalt  }
0x6c: {  	_ =	shalt  }
0x6d: {  	_ =	shalt  }
0x6e: {  	_ =	shalt  }
0x6f: {  	_ =	shalt  }
0x70: {  	_ =	shalt  }
0x71: {  	_ =	shalt  }
0x72: {  	_ =	shalt  }
0x73: {  	_ =	shalt  }
0x74: {  	_ =	shalt  }
0x75: {  	_ =	shalt  }
0x76: {  	_ =	shalt  }
0x77: {  	_ =	shalt  }
0x78: {  	_ =	shalt  }
0x79: {  	_ =	shalt  }
0x7a: {  	_ =	shalt  }
0x7b: {  	_ =	shalt  }
0x7c: {  	_ =	shalt  }
0x7d: {  	_ =	shalt  }
0x7e: {  	_ =	shalt  }
0x7f: {  	_ =	shalt  }
0x80: {  	_ =	shalt  }
0x81: {  	_ =	shalt  }
0x82: {  	_ =	shalt  }
0x83: {  	_ =	shalt  }
0x84: {  	_ =	shalt  }
0x85: {  	_ =	shalt  }
0x86: {  	_ =	shalt  }
0x87: {  	_ =	shalt  }
.Lfunc_end0:
.L_simem_size_0:
called_computation_lowered:
.L_overlay_start_0:
0x88: {  	s2 =	sld [smem:$0x3FD9]  }
0x89: {  	s3 =	sld [smem:$0x3FFE];
	_ =	sdelay $0x1  }
0x8a: {  	s1 =	srdreg.scid  }
0x8b: {  	s0 =	sand.u32 $0x1, s1  }
0x8c: {  	s17 =	sshll.u32 s0, $0xA;
	s2 =	sadd.s32 s3, s2  }
0x8d: {  	s2 =	sadd.s32 s2, s17  }
0x8e: {  	[smem:$0x3FC4] =	sst s2  }
0x8f: {  	_ = 	snop  }
0x90: {  	s2 =	sld [smem:$0x3FD0];
	(tm) =	ssettm $0x1  }
0x91: {  	s18 =	sld [smem:$0x3FFB];
	_ =	sdelay $0x3  }
0x92: {  	_ =	strace s18  }
0x93: {  	s3 =	sld [smem:$0x3FFC];
	_ =	sdelay $0x3  }
0x94: {  	_ =	strace s3  }
0x95: {  	s3 =	sld [smem:$0x3FFD];
	_ =	sdelay $0x3  }
0x96: {  	_ =	strace s3  }
0x97: {  	_ =	strace $0x8FFFFFFF  }
0x98: {  	s19 =	sld [smem:$0x3FDB];
	_ =	sdelay $0x1  }
0x99: {  	s4 =	simm.s32 $_scs_section_size  }
0x9a: {  	s5 =	simm.s32 $_size__tile_overlayer_lowered;
	s6 =	simm.s32 $_tile_overlayer_lowered  }
0x9b: {  	s22 =	simm.s32 $0x1BFF;
	s21 =	sshll.u32 s6, $0x1;
	s3 =	sadd.s32 s4, s19  }
0x9c: {  	s7 =	simm.s32 $0x0;
	s20 =	sshll.u32 s5, $0x1;
	s5 =	sadd.s32 s21, s3  }
0x9d: {  	[timem:s7], [sflag:s22] =	dma.local [hbm:s5], s20  }
0x9e: {  	_ =	swait.ge [sflag:s22], s20  }
0x9f: {  	s4 =	ssub.s32 $0x0, s20;
	[sflag:s22] =	ssyncset.done $0x0  }
0xa0: {  	[sflag:s22] =	ssyncadd.s32 s4;
	_ =	sdelay $0x1  }
0xa1: {  	s23 =	simm.s32 $0x1B8B  }
0xa2: {  	_ =	swait.ge [sflag:s23], $0x1  }
0xa3: {  	[sflag:s23] =	ssyncset.done $0x0  }
0xa4: {  	s25 =	simm.s32 $0x1B8E;
	s24 =	sld [smem:$0x3FFE];
	[sflag:s23] =	ssyncadd.s32 $0xFFFFFFFF  }
0xa5: {  	s26 =	simm.s32 $execute0_lowered;
	[smem:$0x3FD2] =	sst s25  }
0xa6: {  	s5 =	sshll.u32 s26, $0x1;
	_ =	strace $0x80000046;
	[dreg:$0x1] =	wrdreg $0xFFFFFFFF  }
0xa7: {  	s28 =	simm.s32 $_size_execute0_lowered;
	s3 =	sadd.s32 s3, s5;
	[dreg:$0x0] =	wrdreg $0x0  }
0xa8: {  	s5 =	sshll.u32 s28, $0x1;
	[dreg:$0x2] =	wrdreg s3  }
0xa9: {  	[dreg:$0x3] =	wrdreg s5  }
0xaa: {  	[dreg:$0x4] =	wrdreg $0xC0  }
0xab: {  	_ =	task [dreg:s7], $0x5FFFF  }
0xac: {  	[dreg:$0x1] =	wrdreg $0xFFFFFFFF  }
0xad: {  	[dreg:$0x0] =	wrdreg $0x60  }
0xae: {  	[dreg:$0x2] =	wrdreg s24  }
0xaf: {  	[dreg:$0x3] =	wrdreg s2  }
0xb0: {  	[dreg:$0x4] =	wrdreg $0x9  }
0xb1: {  	_ =	task.clear_ibuf [dreg:s7], $0x5FFFF;
	_ =	strace $0x90000046  }
0xb2: {  	s29 =	simm.s32 $0x9;
	_ =	strace $0x80000048  }
0xb3: {  	_ =	swait.ge [sflag:s29], $0x1  }
0xb4: {  	[sflag:s29] =	ssyncadd.s32 $0xFFFFFFFF  }
0xb5: {  	_ =	strace $0x90000048  }
0xb6: {  	_ =	sfence  }
0xb7: {  	s30 =	sld [smem:$0x0];
	_ =	sdelay $0x2  }
0xb8: {  	s31 =	sshll.u32 s1, $0xD;
	s1 =	sshrl.u32 s1, $0x2  }
0xb9: {  	s3 =	sand.u32 $0x4000, s31;
	s1 =	sadd.s32 s1, s30  }
0xba: {  	s0 =	sor.u32 s3, s0;
	s1 =	sshll.u32 s1, $0x11  }
0xbb: {  	s0 =	sor.u32 s1, s0  }
0xbc: {  	s0 =	sadd.s32 $0x8F2B, s0  }
0xbd: {  	[sflag:s0] =	ssyncadd.remote.s32 $0x1  }
0xbe: {  	_ =	sfence.sel $0xFFFF  }
0xbf: {  	[dreg:$0x0] =	wrdreg $0xFFFFFFFF;
	(pc) =	sbr.abs _section_cstart, $3  }
0xc0: {  	[dreg:$0x1] =	wrdreg $0xFFFFFFFF  }
0xc1: {  	_ =	task.clear_ibuf [dreg:s7], $0x2FFFF;
	_ =	strace $0x9FFFFFFF  }
0xc2: {  	(tm) =	ssettm $0x7FFFFFFF  }
0xc3: {  	_ =	shalt  }
tec
execute0_lowered:
.L_overlay_start_1:
0x0: {  	(tag) =	ssettag $0x1  }
0x1: {  	s7 =	rddreg [dreg:$0x0]  }
0x2: {  	s6 =	rddreg [dreg:$0x1]  }
0x3: {  	s0 =	rddreg [dreg:$0x2];
	s2 =	simm.s32 $0x0  }
0x4: {  	s1 =	stileid.u32;
	s3 =	srdreg.scid;
	s13 =	simm.s32 $0x200  }
0x5: {  	s14 =	simm.s32 $0x400;
	s15 =	simm.s32 $0x18700;
	s16 =	simm.s32 $0x1  }
0x6: {  	s17 =	simm.s32 $0x1B900;
	s18 =	simm.s32 $0x2;
	s19 =	simm.s32 $0x1EB00  }
0x7: {  	s20 =	simm.s32 $0x0;
	[smem:$0x7FF] =	sst s2;
	s5 =	sshrl.u32 s1, $0x3  }
0x8: {  	s4 =	sand.u32 $0x1, s3;
	s9 =	sshll.u32 s1, $0x1;
	s3 =	sadd.s32 $0xC00, s7  }
0x9: {  	_ =	strace $0x80000047;
	s29 =	sshll.u32 s5, $0x4;
	s8 =	ssub.s32 $0x2, s4  }
0xa: {  	s9 =	sand.u32 $0xE, s9;
	s12 =	sshll.u32 s5, $0xA;
	s10 =	sadd.s32 s29, s7  }
0xb: {  	s11 =	sshrl.u32 s8, $0x1;
	s30 =	sor.u32 s4, s9;
	s31 =	sadd.s32 s6, s12  }
0xc: {  	s7 =	sadd.s32 $0xC40, s7;
	s12 =	simm.s32 $0x3;
	s11 =	ssub.s32 s8, s11  }
0xd: {  	s4 =	sshll.u32 s30, $0x1;
	s9 =	smul.u32 $0x1900, s30;
	s8 =	sshll.u32 s30, $0x6  }
0xe: {  	s5 =	sadd.s32 $0x19C00, s10;
	s10 =	simm.s32 $0x80;
	s8 =	sadd.s32 s8, s31  }
0xf: {  	s6 =	sadd.s32 s3, s9;
	s9 =	smax.u32 s11, $0x1;
	s11 =	simm.s32 $0x100  }
.LBB2_1:
0x10: {  	[tilespmem:s2], [sflag:$0x3] =	stream.strided.gather [hbm4b:s5+s10], $0x18700, s11, s10, $0x38;
	[tilespmem:$0x1ED00] =	vst v63  }
0x11: {  	_ =	swait.ge [sflag:s12], $0x18700  }
0x12: {  	[sflag:s12] =	ssyncset.done $0x0  }
0x13: {  	p1 =	por $0x1, $0x1;
	s21 =	simm.s32 $0x0;
	[sflag:s12] =	ssyncadd.s32 $0xFFFE7900  }
0x14: {  	[tilespmem:s15], [sflag:$0x1] =	stream.strided.gather [hbm4b:s6+s13], $0x3200, s14, s13, $0x38;
	[tilespmem:$0x1ED00] =	vst v63  }
.LBB2_2:
0x15: {  	s22 =	sor.u32 s4, s21  }
0x16: {  	_ =	swait.ge [sflag:s16], $0x3200;
	s23 =	smul.u32 $0xC80, s22  }
0x17: {  	[sflag:s16] =	ssyncset.done $0x0  }
0x18: {  	s31 =	simm.s32 $0x0;
	[sflag:s16] =	ssyncadd.s32 $0xFFFFCE00;
	s23 =	sadd.s32 s23, s7  }
0x19: {  	[tilespmem:s17], [sflag:$0x2] =	stream.strided.gather [hbm4b:s23+s13], $0x3200, s14, s13, $0x38;
	[tilespmem:$0x1ED00] =	vst v63  }
0x1a: {  	v0 =	vld [tilespmem:s31+$0x18760]  }
0x1b: {  	v1 =	vld [tilespmem:s31+$0x18740]  }
0x1c: {  	v2 =	vld [tilespmem:s31+$0x18720]  }
0x1d: {  	v3 =	vld [tilespmem:s31+$0x18700]  }
0x1e: {  	v4 =	vld [tilespmem:s31+$0x18710]  }
0x1f: {  	v7 =	vld [tilespmem:s31+$0x18770]  }
0x20: {  	v5 =	vld [tilespmem:s31+$0x18730]  }
0x21: {  	v8 =	vld [tilespmem:s31+$0x18750]  }
0x22: {  	v10 =	vld.idx.msk [tilespmem:v0+s2+$0x0], $0xffff  }
0x23: {  	v11 =	vld.idx.msk [tilespmem:v1+s2+$0x0], $0xffff  }
0x24: {  	v13 =	vld.idx.msk [tilespmem:v2+s2+$0x0], $0xffff  }
0x25: {  	v14 =	vld.idx.msk [tilespmem:v3+s2+$0x0], $0xffff  }
0x26: {  	s23 =	simm.s32 $0x200;
	v16 =	vld.idx.msk [tilespmem:v4+s2+$0x0], $0xffff  }
0x27: {  	v3 =	vld [tilespmem:s23+$0x18760]  }
0x28: {  	v9 =	vld.idx.msk [tilespmem:v5+s2+$0x0], $0xffff  }
0x29: {  	v17 =	vimm.f32 $0.0e+00;
	v2 =	vld [tilespmem:s23+$0x18740]  }
0x2a: {  	v5 =	vld.idx.msk [tilespmem:v8+s2+$0x0], $0xffff;
	v6 =	vshll.u32 v11, $0x10;
	v0 =	vshll.u32 v10, $0x10;
	v1 =	vand.u32 $0xFFFF0000, v10  }
0x2b: {  	v4 =	vld [tilespmem:s23+$0x18720];
	v12 =	vshll.u32 v13, $0x10;
	v13 =	vand.u32 $0xFFFF0000, v13;
	v11 =	vand.u32 $0xFFFF0000, v11  }
0x2c: {  	v7 =	vld.idx.msk [tilespmem:v7+s2+$0x0], $0xffff;
	v10 =	vshll.u32 v14, $0x10;
	v15 =	vand.u32 $0xFFFF0000, v14;
	v18 =	vshll.u32 v16, $0x10  }
0x2d: {  	v8 =	vld [tilespmem:s23+$0x18700];
	v19 =	vand.u32 $0xFFFF0000, v16;
	v14 =	vadd.f32 v10, v17;
	v15 =	vadd.f32 v15, v17  }
0x2e: {  	p0 =	por p1, p1;
	s24 =	simm.s32 $0x1000;
	v10 =	vld [tilespmem:s23+$0x18710];
	v16 =	vadd.f32 v18, v17;
	v17 =	vadd.f32 v19, v17;
	v18 =	vshll.u32 v9, $0x10  }
.LBB2_3:
0x2f: {  	p1 =	sne.s32 s24, $0xC000;
	v19 =	vld [tilespmem:s23+$0x18770];
	v12 =	vadd.f32 v12, v14;
	v13 =	vadd.f32 v13, v15;
	v9 =	vand.u32 $0xFFFF0000, v9  }
0x30: {  	v14 =	vld [tilespmem:s23+$0x18730];
	v15 =	vadd.f32 v18, v16;
	v9 =	vadd.f32 v9, v17;
	v16 =	vshll.u32 v5, $0x10  }
0x31: {  	v5 =	vand.u32 $0xFFFF0000, v5;
	v17 =	vld [tilespmem:s23+$0x18750];
	v6 =	vadd.f32 v6, v12;
	v11 =	vadd.f32 v11, v13  }
0x32: {  	v12 =	vld.idx.msk [tilespmem:v3+s2+$0x0], $0xffff;
	v3 =	vadd.f32 v16, v15;
	v5 =	vadd.f32 v5, v9;
	v9 =	vshll.u32 v7, $0x10  }
0x33: {  	v15 =	vld.idx.msk [tilespmem:v2+s2+$0x0], $0xffff;
	v16 =	vadd.f32 v0, v6;
	v18 =	vadd.f32 v1, v11;
	v0 =	vand.u32 $0xFFFF0000, v7  }
0x34: {  	v7 =	vld.idx.msk [tilespmem:v4+s2+$0x0], $0xffff;
	v20 =	vadd.f32 v9, v3;
	v21 =	vadd.f32 v0, v5  }
0x35: {  	v8 =	vld.idx.msk [tilespmem:v8+s2+$0x0], $0xffff  }
0x36: {  	s23 =	sshra.s32 s24, $0x2;
	v10 =	vld.idx.msk [tilespmem:v10+s2+$0x0], $0xffff  }
0x37: {  	v3 =	vld [tilespmem:s23+$0x18760]  }
0x38: {  	v9 =	vld.idx.msk [tilespmem:v14+s2+$0x0], $0xffff  }
0x39: {  	v2 =	vld [tilespmem:s23+$0x18740]  }
.Ltmp0:
0x3a: {  	v0 =	vshll.u32 v12, $0x10;
	v1 =	vand.u32 $0xFFFF0000, v12;
	v6 =	vshll.u32 v15, $0x10;
	v5 =	vld.idx.msk [tilespmem:v17+s2+$0x0], $0xffff;
	(pc) =	sbr.rel @p1 .LBB2_3-.Ltmp0, $4  }
0x3b: {  	v11 =	vand.u32 $0xFFFF0000, v15;
	v12 =	vshll.u32 v7, $0x10;
	v13 =	vand.u32 $0xFFFF0000, v7;
	v4 =	vld [tilespmem:s23+$0x18720]  }
0x3c: {  	v14 =	vshll.u32 v8, $0x10;
	v15 =	vand.u32 $0xFFFF0000, v8;
	v17 =	vshll.u32 v10, $0x10;
	v7 =	vld.idx.msk [tilespmem:v19+s2+$0x0], $0xffff  }
0x3d: {  	v14 =	vadd.f32 v14, v16;
	v15 =	vadd.f32 v15, v18;
	v18 =	vand.u32 $0xFFFF0000, v10;
	v8 =	vld [tilespmem:s23+$0x18700]  }
0x3e: {  	s24 =	sadd.s32 $0x800, s24;
	v16 =	vadd.f32 v17, v20;
	v17 =	vadd.f32 v18, v21;
	v18 =	vshll.u32 v9, $0x10;
	v10 =	vld [tilespmem:s23+$0x18710]  }
0x3f: {  	_ = 	snop  }
0x40: {  	v19 =	vld [tilespmem:s23+$0x18770]  }
0x41: {  	v20 =	vld [tilespmem:s23+$0x18730]  }
0x42: {  	v21 =	vld [tilespmem:s23+$0x18750]  }
0x43: {  	v3 =	vld.idx.msk [tilespmem:v3+s2+$0x0], $0xffff  }
0x44: {  	v12 =	vadd.f32 v12, v14;
	v13 =	vadd.f32 v13, v15;
	v9 =	vand.u32 $0xFFFF0000, v9;
	v2 =	vld.idx.msk [tilespmem:v2+s2+$0x0], $0xffff  }
0x45: {  	v15 =	vshll.u32 v5, $0x10;
	v14 =	vadd.f32 v18, v16;
	v9 =	vadd.f32 v9, v17;
	v4 =	vld.idx.msk [tilespmem:v4+s2+$0x0], $0xffff  }
0x46: {  	v5 =	vand.u32 $0xFFFF0000, v5;
	v6 =	vadd.f32 v6, v12;
	v11 =	vadd.f32 v11, v13;
	v8 =	vld.idx.msk [tilespmem:v8+s2+$0x0], $0xffff  }
0x47: {  	v12 =	vadd.f32 v15, v14;
	v5 =	vadd.f32 v5, v9;
	v9 =	vshll.u32 v7, $0x10;
	v10 =	vld.idx.msk [tilespmem:v10+s2+$0x0], $0xffff  }
0x48: {  	v0 =	vadd.f32 v0, v6;
	v1 =	vadd.f32 v1, v11;
	v6 =	vand.u32 $0xFFFF0000, v7  }
0x49: {  	v7 =	vadd.f32 v9, v12;
	v5 =	vadd.f32 v6, v5;
	v6 =	vld.idx.msk [tilespmem:v20+s2+$0x0], $0xffff  }
0x4a: {  	v9 =	vshll.u32 v2, $0x10;
	v11 =	vshll.u32 v3, $0x10;
	v3 =	vand.u32 $0xFFFF0000, v3  }
0x4b: {  	v2 =	vand.u32 $0xFFFF0000, v2;
	v13 =	vshll.u32 v4, $0x10;
	v4 =	vand.u32 $0xFFFF0000, v4;
	v12 =	vld.idx.msk [tilespmem:v21+s2+$0x0], $0xffff  }
0x4c: {  	v14 =	vshll.u32 v8, $0x10;
	v8 =	vand.u32 $0xFFFF0000, v8;
	v15 =	vshll.u32 v10, $0x10  }
0x4d: {  	v16 =	vld.idx.msk [tilespmem:v19+s2+$0x0], $0xffff;
	v0 =	vadd.f32 v14, v0;
	v10 =	vand.u32 $0xFFFF0000, v10;
	v7 =	vadd.f32 v15, v7  }
0x4e: {  	v1 =	vadd.f32 v8, v1;
	v5 =	vadd.f32 v10, v5;
	v8 =	vshll.u32 v6, $0x10  }
0x4f: {  	v0 =	vadd.f32 v13, v0;
	v6 =	vand.u32 $0xFFFF0000, v6;
	v7 =	vadd.f32 v8, v7  }
0x50: {  	v1 =	vadd.f32 v4, v1;
	v4 =	vadd.f32 v6, v5;
	v5 =	vshll.u32 v12, $0x10  }
0x51: {  	v0 =	vadd.f32 v9, v0;
	v6 =	vand.u32 $0xFFFF0000, v12;
	v5 =	vadd.f32 v5, v7  }
0x52: {  	v1 =	vadd.f32 v2, v1;
	v2 =	vadd.f32 v6, v4;
	v4 =	vshll.u32 v16, $0x10  }
0x53: {  	v0 =	vadd.f32 v11, v0;
	v6 =	vand.u32 $0xFFFF0000, v16;
	v4 =	vadd.f32 v4, v5  }
0x54: {  	v1 =	vadd.f32 v3, v1;
	v2 =	vadd.f32 v6, v2  }
0x55: {  	s21 =	sshll.u32 s21, $0x8;
	v0 =	vadd.f32 v4, v0  }
0x56: {  	s21 =	sand.u32 $0x3FFFFF00, s21;
	v1 =	vadd.f32 v2, v1  }
0x57: {  	[tilespmem:s21+$0x1EB00] =	vst v0  }
0x58: {  	s31 =	simm.s32 $0x0;
	[tilespmem:s21+$0x1EB80] =	vst v1  }
0x59: {  	v0 =	vld [tilespmem:s31+$0x187E0]  }
0x5a: {  	v1 =	vld [tilespmem:s31+$0x187C0]  }
0x5b: {  	v2 =	vld [tilespmem:s31+$0x187A0]  }
0x5c: {  	v3 =	vld [tilespmem:s31+$0x18780]  }
0x5d: {  	v4 =	vld [tilespmem:s31+$0x18790]  }
0x5e: {  	v7 =	vld [tilespmem:s31+$0x187F0]  }
0x5f: {  	v5 =	vld [tilespmem:s31+$0x187B0]  }
0x60: {  	v8 =	vld [tilespmem:s31+$0x187D0]  }
0x61: {  	v10 =	vld.idx.msk [tilespmem:v0+s2+$0x0], $0xffff  }
0x62: {  	v11 =	vld.idx.msk [tilespmem:v1+s2+$0x0], $0xffff  }
0x63: {  	v13 =	vld.idx.msk [tilespmem:v2+s2+$0x0], $0xffff  }
0x64: {  	v14 =	vld.idx.msk [tilespmem:v3+s2+$0x0], $0xffff  }
0x65: {  	s23 =	simm.s32 $0x200;
	v16 =	vld.idx.msk [tilespmem:v4+s2+$0x0], $0xffff  }
0x66: {  	v3 =	vld [tilespmem:s23+$0x187E0]  }
0x67: {  	v9 =	vld.idx.msk [tilespmem:v5+s2+$0x0], $0xffff  }
0x68: {  	v17 =	vimm.f32 $0.0e+00;
	v2 =	vld [tilespmem:s23+$0x187C0]  }
0x69: {  	v5 =	vld.idx.msk [tilespmem:v8+s2+$0x0], $0xffff;
	v6 =	vshll.u32 v11, $0x10;
	v0 =	vshll.u32 v10, $0x10;
	v1 =	vand.u32 $0xFFFF0000, v10  }
0x6a: {  	v4 =	vld [tilespmem:s23+$0x187A0];
	v12 =	vshll.u32 v13, $0x10;
	v13 =	vand.u32 $0xFFFF0000, v13;
	v11 =	vand.u32 $0xFFFF0000, v11  }
0x6b: {  	v7 =	vld.idx.msk [tilespmem:v7+s2+$0x0], $0xffff;
	v10 =	vshll.u32 v14, $0x10;
	v15 =	vand.u32 $0xFFFF0000, v14;
	v18 =	vshll.u32 v16, $0x10  }
0x6c: {  	v8 =	vld [tilespmem:s23+$0x18780];
	v19 =	vand.u32 $0xFFFF0000, v16;
	v14 =	vadd.f32 v10, v17;
	v15 =	vadd.f32 v15, v17  }
0x6d: {  	s24 =	simm.s32 $0x1000;
	v10 =	vld [tilespmem:s23+$0x18790];
	v16 =	vadd.f32 v18, v17;
	v17 =	vadd.f32 v19, v17;
	v18 =	vshll.u32 v9, $0x10  }
.LBB2_5:
0x6e: {  	p1 =	sne.s32 s24, $0xC000;
	v19 =	vld [tilespmem:s23+$0x187F0];
	v12 =	vadd.f32 v12, v14;
	v13 =	vadd.f32 v13, v15;
	v9 =	vand.u32 $0xFFFF0000, v9  }
0x6f: {  	v14 =	vld [tilespmem:s23+$0x187B0];
	v15 =	vadd.f32 v18, v16;
	v9 =	vadd.f32 v9, v17;
	v16 =	vshll.u32 v5, $0x10  }
0x70: {  	v5 =	vand.u32 $0xFFFF0000, v5;
	v17 =	vld [tilespmem:s23+$0x187D0];
	v6 =	vadd.f32 v6, v12;
	v11 =	vadd.f32 v11, v13  }
0x71: {  	v12 =	vld.idx.msk [tilespmem:v3+s2+$0x0], $0xffff;
	v3 =	vadd.f32 v16, v15;
	v5 =	vadd.f32 v5, v9;
	v9 =	vshll.u32 v7, $0x10  }
0x72: {  	v15 =	vld.idx.msk [tilespmem:v2+s2+$0x0], $0xffff;
	v16 =	vadd.f32 v0, v6;
	v18 =	vadd.f32 v1, v11;
	v0 =	vand.u32 $0xFFFF0000, v7  }
0x73: {  	v7 =	vld.idx.msk [tilespmem:v4+s2+$0x0], $0xffff;
	v20 =	vadd.f32 v9, v3;
	v21 =	vadd.f32 v0, v5  }
0x74: {  	v8 =	vld.idx.msk [tilespmem:v8+s2+$0x0], $0xffff  }
0x75: {  	s23 =	sshra.s32 s24, $0x2;
	v10 =	vld.idx.msk [tilespmem:v10+s2+$0x0], $0xffff  }
0x76: {  	v3 =	vld [tilespmem:s23+$0x187E0]  }
0x77: {  	v9 =	vld.idx.msk [tilespmem:v14+s2+$0x0], $0xffff  }
0x78: {  	v2 =	vld [tilespmem:s23+$0x187C0]  }
.Ltmp1:
0x79: {  	v0 =	vshll.u32 v12, $0x10;
	v1 =	vand.u32 $0xFFFF0000, v12;
	v6 =	vshll.u32 v15, $0x10;
	v5 =	vld.idx.msk [tilespmem:v17+s2+$0x0], $0xffff;
	(pc) =	sbr.rel @p1 .LBB2_5-.Ltmp1, $4  }
0x7a: {  	v11 =	vand.u32 $0xFFFF0000, v15;
	v12 =	vshll.u32 v7, $0x10;
	v13 =	vand.u32 $0xFFFF0000, v7;
	v4 =	vld [tilespmem:s23+$0x187A0]  }
0x7b: {  	v14 =	vshll.u32 v8, $0x10;
	v15 =	vand.u32 $0xFFFF0000, v8;
	v17 =	vshll.u32 v10, $0x10;
	v7 =	vld.idx.msk [tilespmem:v19+s2+$0x0], $0xffff  }
0x7c: {  	v14 =	vadd.f32 v14, v16;
	v15 =	vadd.f32 v15, v18;
	v18 =	vand.u32 $0xFFFF0000, v10;
	v8 =	vld [tilespmem:s23+$0x18780]  }
0x7d: {  	s24 =	sadd.s32 $0x800, s24;
	v16 =	vadd.f32 v17, v20;
	v17 =	vadd.f32 v18, v21;
	v18 =	vshll.u32 v9, $0x10;
	v10 =	vld [tilespmem:s23+$0x18790]  }
0x7e: {  	_ = 	snop  }
0x7f: {  	v19 =	vld [tilespmem:s23+$0x187F0]  }
0x80: {  	v20 =	vld [tilespmem:s23+$0x187B0]  }
0x81: {  	v21 =	vld [tilespmem:s23+$0x187D0]  }
0x82: {  	v3 =	vld.idx.msk [tilespmem:v3+s2+$0x0], $0xffff  }
0x83: {  	v12 =	vadd.f32 v12, v14;
	v13 =	vadd.f32 v13, v15;
	v9 =	vand.u32 $0xFFFF0000, v9;
	v2 =	vld.idx.msk [tilespmem:v2+s2+$0x0], $0xffff  }
0x84: {  	v15 =	vshll.u32 v5, $0x10;
	v14 =	vadd.f32 v18, v16;
	v9 =	vadd.f32 v9, v17;
	v4 =	vld.idx.msk [tilespmem:v4+s2+$0x0], $0xffff  }
0x85: {  	v5 =	vand.u32 $0xFFFF0000, v5;
	v6 =	vadd.f32 v6, v12;
	v11 =	vadd.f32 v11, v13;
	v8 =	vld.idx.msk [tilespmem:v8+s2+$0x0], $0xffff  }
0x86: {  	v12 =	vadd.f32 v15, v14;
	v5 =	vadd.f32 v5, v9;
	v9 =	vshll.u32 v7, $0x10;
	v10 =	vld.idx.msk [tilespmem:v10+s2+$0x0], $0xffff  }
0x87: {  	v0 =	vadd.f32 v0, v6;
	v1 =	vadd.f32 v1, v11;
	v6 =	vand.u32 $0xFFFF0000, v7  }
0x88: {  	v7 =	vadd.f32 v9, v12;
	v5 =	vadd.f32 v6, v5;
	v6 =	vld.idx.msk [tilespmem:v20+s2+$0x0], $0xffff  }
0x89: {  	v9 =	vshll.u32 v2, $0x10;
	v11 =	vshll.u32 v3, $0x10;
	v3 =	vand.u32 $0xFFFF0000, v3  }
0x8a: {  	v2 =	vand.u32 $0xFFFF0000, v2;
	v13 =	vshll.u32 v4, $0x10;
	v4 =	vand.u32 $0xFFFF0000, v4;
	v12 =	vld.idx.msk [tilespmem:v21+s2+$0x0], $0xffff  }
0x8b: {  	v14 =	vshll.u32 v8, $0x10;
	v8 =	vand.u32 $0xFFFF0000, v8;
	v15 =	vshll.u32 v10, $0x10  }
0x8c: {  	v16 =	vld.idx.msk [tilespmem:v19+s2+$0x0], $0xffff;
	v0 =	vadd.f32 v14, v0;
	v10 =	vand.u32 $0xFFFF0000, v10;
	v7 =	vadd.f32 v15, v7  }
0x8d: {  	v1 =	vadd.f32 v8, v1;
	v5 =	vadd.f32 v10, v5;
	v8 =	vshll.u32 v6, $0x10  }
0x8e: {  	v0 =	vadd.f32 v13, v0;
	v6 =	vand.u32 $0xFFFF0000, v6;
	v7 =	vadd.f32 v8, v7  }
0x8f: {  	v1 =	vadd.f32 v4, v1;
	v4 =	vadd.f32 v6, v5;
	v5 =	vshll.u32 v12, $0x10  }
0x90: {  	v0 =	vadd.f32 v9, v0;
	v6 =	vand.u32 $0xFFFF0000, v12;
	v5 =	vadd.f32 v5, v7  }
0x91: {  	v1 =	vadd.f32 v2, v1;
	v2 =	vadd.f32 v6, v4;
	v4 =	vshll.u32 v16, $0x10  }
0x92: {  	v0 =	vadd.f32 v11, v0;
	v6 =	vand.u32 $0xFFFF0000, v16;
	v4 =	vadd.f32 v4, v5  }
0x93: {  	v1 =	vadd.f32 v3, v1;
	v2 =	vadd.f32 v6, v2  }
0x94: {  	v0 =	vadd.f32 v4, v0  }
0x95: {  	v1 =	vadd.f32 v2, v1  }
0x96: {  	[tilespmem:s21+$0x1EB10] =	vst v0  }
0x97: {  	s31 =	simm.s32 $0x0;
	[tilespmem:s21+$0x1EB90] =	vst v1  }
0x98: {  	v0 =	vld [tilespmem:s31+$0x18860]  }
0x99: {  	v1 =	vld [tilespmem:s31+$0x18840]  }
0x9a: {  	v2 =	vld [tilespmem:s31+$0x18820]  }
0x9b: {  	v3 =	vld [tilespmem:s31+$0x18800]  }
0x9c: {  	v4 =	vld [tilespmem:s31+$0x18810]  }
0x9d: {  	v7 =	vld [tilespmem:s31+$0x18870]  }
0x9e: {  	v5 =	vld [tilespmem:s31+$0x18830]  }
0x9f: {  	v8 =	vld [tilespmem:s31+$0x18850]  }
0xa0: {  	v10 =	vld.idx.msk [tilespmem:v0+s2+$0x0], $0xffff  }
0xa1: {  	v11 =	vld.idx.msk [tilespmem:v1+s2+$0x0], $0xffff  }
0xa2: {  	v13 =	vld.idx.msk [tilespmem:v2+s2+$0x0], $0xffff  }
0xa3: {  	v14 =	vld.idx.msk [tilespmem:v3+s2+$0x0], $0xffff  }
0xa4: {  	s23 =	simm.s32 $0x200;
	v16 =	vld.idx.msk [tilespmem:v4+s2+$0x0], $0xffff  }
0xa5: {  	v3 =	vld [tilespmem:s23+$0x18860]  }
0xa6: {  	v9 =	vld.idx.msk [tilespmem:v5+s2+$0x0], $0xffff  }
0xa7: {  	v17 =	vimm.f32 $0.0e+00;
	v2 =	vld [tilespmem:s23+$0x18840]  }
0xa8: {  	v5 =	vld.idx.msk [tilespmem:v8+s2+$0x0], $0xffff;
	v6 =	vshll.u32 v11, $0x10;
	v0 =	vshll.u32 v10, $0x10;
	v1 =	vand.u32 $0xFFFF0000, v10  }
0xa9: {  	v4 =	vld [tilespmem:s23+$0x18820];
	v12 =	vshll.u32 v13, $0x10;
	v13 =	vand.u32 $0xFFFF0000, v13;
	v11 =	vand.u32 $0xFFFF0000, v11  }
0xaa: {  	v7 =	vld.idx.msk [tilespmem:v7+s2+$0x0], $0xffff;
	v10 =	vshll.u32 v14, $0x10;
	v15 =	vand.u32 $0xFFFF0000, v14;
	v18 =	vshll.u32 v16, $0x10  }
0xab: {  	v8 =	vld [tilespmem:s23+$0x18800];
	v19 =	vand.u32 $0xFFFF0000, v16;
	v14 =	vadd.f32 v10, v17;
	v15 =	vadd.f32 v15, v17  }
0xac: {  	s24 =	simm.s32 $0x1000;
	v10 =	vld [tilespmem:s23+$0x18810];
	v16 =	vadd.f32 v18, v17;
	v17 =	vadd.f32 v19, v17;
	v18 =	vshll.u32 v9, $0x10  }
.LBB2_7:
0xad: {  	p1 =	sne.s32 s24, $0xC000;
	v19 =	vld [tilespmem:s23+$0x18870];
	v12 =	vadd.f32 v12, v14;
	v13 =	vadd.f32 v13, v15;
	v9 =	vand.u32 $0xFFFF0000, v9  }
0xae: {  	v14 =	vld [tilespmem:s23+$0x18830];
	v15 =	vadd.f32 v18, v16;
	v9 =	vadd.f32 v9, v17;
	v16 =	vshll.u32 v5, $0x10  }
0xaf: {  	v5 =	vand.u32 $0xFFFF0000, v5;
	v17 =	vld [tilespmem:s23+$0x18850];
	v6 =	vadd.f32 v6, v12;
	v11 =	vadd.f32 v11, v13  }
0xb0: {  	v12 =	vld.idx.msk [tilespmem:v3+s2+$0x0], $0xffff;
	v3 =	vadd.f32 v16, v15;
	v5 =	vadd.f32 v5, v9;
	v9 =	vshll.u32 v7, $0x10  }
0xb1: {  	v15 =	vld.idx.msk [tilespmem:v2+s2+$0x0], $0xffff;
	v16 =	vadd.f32 v0, v6;
	v18 =	vadd.f32 v1, v11;
	v0 =	vand.u32 $0xFFFF0000, v7  }
0xb2: {  	v7 =	vld.idx.msk [tilespmem:v4+s2+$0x0], $0xffff;
	v20 =	vadd.f32 v9, v3;
	v21 =	vadd.f32 v0, v5  }
0xb3: {  	v8 =	vld.idx.msk [tilespmem:v8+s2+$0x0], $0xffff  }
0xb4: {  	s23 =	sshra.s32 s24, $0x2;
	v10 =	vld.idx.msk [tilespmem:v10+s2+$0x0], $0xffff  }
0xb5: {  	v3 =	vld [tilespmem:s23+$0x18860]  }
0xb6: {  	v9 =	vld.idx.msk [tilespmem:v14+s2+$0x0], $0xffff  }
0xb7: {  	v2 =	vld [tilespmem:s23+$0x18840]  }
.Ltmp2:
0xb8: {  	v0 =	vshll.u32 v12, $0x10;
	v1 =	vand.u32 $0xFFFF0000, v12;
	v6 =	vshll.u32 v15, $0x10;
	v5 =	vld.idx.msk [tilespmem:v17+s2+$0x0], $0xffff;
	(pc) =	sbr.rel @p1 .LBB2_7-.Ltmp2, $4  }
0xb9: {  	v11 =	vand.u32 $0xFFFF0000, v15;
	v12 =	vshll.u32 v7, $0x10;
	v13 =	vand.u32 $0xFFFF0000, v7;
	v4 =	vld [tilespmem:s23+$0x18820]  }
0xba: {  	v14 =	vshll.u32 v8, $0x10;
	v15 =	vand.u32 $0xFFFF0000, v8;
	v17 =	vshll.u32 v10, $0x10;
	v7 =	vld.idx.msk [tilespmem:v19+s2+$0x0], $0xffff  }
0xbb: {  	v14 =	vadd.f32 v14, v16;
	v15 =	vadd.f32 v15, v18;
	v18 =	vand.u32 $0xFFFF0000, v10;
	v8 =	vld [tilespmem:s23+$0x18800]  }
0xbc: {  	s24 =	sadd.s32 $0x800, s24;
	v16 =	vadd.f32 v17, v20;
	v17 =	vadd.f32 v18, v21;
	v18 =	vshll.u32 v9, $0x10;
	v10 =	vld [tilespmem:s23+$0x18810]  }
0xbd: {  	_ = 	snop  }
0xbe: {  	v19 =	vld [tilespmem:s23+$0x18870]  }
0xbf: {  	v20 =	vld [tilespmem:s23+$0x18830]  }
0xc0: {  	v21 =	vld [tilespmem:s23+$0x18850]  }
0xc1: {  	v3 =	vld.idx.msk [tilespmem:v3+s2+$0x0], $0xffff  }
0xc2: {  	v12 =	vadd.f32 v12, v14;
	v13 =	vadd.f32 v13, v15;
	v9 =	vand.u32 $0xFFFF0000, v9;
	v2 =	vld.idx.msk [tilespmem:v2+s2+$0x0], $0xffff  }
0xc3: {  	v15 =	vshll.u32 v5, $0x10;
	v14 =	vadd.f32 v18, v16;
	v9 =	vadd.f32 v9, v17;
	v4 =	vld.idx.msk [tilespmem:v4+s2+$0x0], $0xffff  }
0xc4: {  	v5 =	vand.u32 $0xFFFF0000, v5;
	v6 =	vadd.f32 v6, v12;
	v11 =	vadd.f32 v11, v13;
	v8 =	vld.idx.msk [tilespmem:v8+s2+$0x0], $0xffff  }
0xc5: {  	v12 =	vadd.f32 v15, v14;
	v5 =	vadd.f32 v5, v9;
	v9 =	vshll.u32 v7, $0x10;
	v10 =	vld.idx.msk [tilespmem:v10+s2+$0x0], $0xffff  }
0xc6: {  	v0 =	vadd.f32 v0, v6;
	v1 =	vadd.f32 v1, v11;
	v6 =	vand.u32 $0xFFFF0000, v7  }
0xc7: {  	v7 =	vadd.f32 v9, v12;
	v5 =	vadd.f32 v6, v5;
	v6 =	vld.idx.msk [tilespmem:v20+s2+$0x0], $0xffff  }
0xc8: {  	v9 =	vshll.u32 v2, $0x10;
	v11 =	vshll.u32 v3, $0x10;
	v3 =	vand.u32 $0xFFFF0000, v3  }
0xc9: {  	v2 =	vand.u32 $0xFFFF0000, v2;
	v13 =	vshll.u32 v4, $0x10;
	v4 =	vand.u32 $0xFFFF0000, v4;
	v12 =	vld.idx.msk [tilespmem:v21+s2+$0x0], $0xffff  }
0xca: {  	v14 =	vshll.u32 v8, $0x10;
	v8 =	vand.u32 $0xFFFF0000, v8;
	v15 =	vshll.u32 v10, $0x10  }
0xcb: {  	v16 =	vld.idx.msk [tilespmem:v19+s2+$0x0], $0xffff;
	v0 =	vadd.f32 v14, v0;
	v10 =	vand.u32 $0xFFFF0000, v10;
	v7 =	vadd.f32 v15, v7  }
0xcc: {  	v1 =	vadd.f32 v8, v1;
	v5 =	vadd.f32 v10, v5;
	v8 =	vshll.u32 v6, $0x10  }
0xcd: {  	v0 =	vadd.f32 v13, v0;
	v6 =	vand.u32 $0xFFFF0000, v6;
	v7 =	vadd.f32 v8, v7  }
0xce: {  	v1 =	vadd.f32 v4, v1;
	v4 =	vadd.f32 v6, v5;
	v5 =	vshll.u32 v12, $0x10  }
0xcf: {  	v0 =	vadd.f32 v9, v0;
	v6 =	vand.u32 $0xFFFF0000, v12;
	v5 =	vadd.f32 v5, v7  }
0xd0: {  	v1 =	vadd.f32 v2, v1;
	v2 =	vadd.f32 v6, v4;
	v4 =	vshll.u32 v16, $0x10  }
0xd1: {  	v0 =	vadd.f32 v11, v0;
	v6 =	vand.u32 $0xFFFF0000, v16;
	v4 =	vadd.f32 v4, v5  }
0xd2: {  	v1 =	vadd.f32 v3, v1;
	v2 =	vadd.f32 v6, v2  }
0xd3: {  	v0 =	vadd.f32 v4, v0  }
0xd4: {  	v1 =	vadd.f32 v2, v1  }
0xd5: {  	[tilespmem:s21+$0x1EB20] =	vst v0  }
0xd6: {  	s31 =	simm.s32 $0x0;
	[tilespmem:s21+$0x1EBA0] =	vst v1  }
0xd7: {  	v0 =	vld [tilespmem:s31+$0x188E0]  }
0xd8: {  	v1 =	vld [tilespmem:s31+$0x188C0]  }
0xd9: {  	v2 =	vld [tilespmem:s31+$0x188A0]  }
0xda: {  	v3 =	vld [tilespmem:s31+$0x18880]  }
0xdb: {  	v4 =	vld [tilespmem:s31+$0x18890]  }
0xdc: {  	v7 =	vld [tilespmem:s31+$0x188F0]  }
0xdd: {  	v5 =	vld [tilespmem:s31+$0x188B0]  }
0xde: {  	v8 =	vld [tilespmem:s31+$0x188D0]  }
0xdf: {  	v10 =	vld.idx.msk [tilespmem:v0+s2+$0x0], $0xffff  }
0xe0: {  	v11 =	vld.idx.msk [tilespmem:v1+s2+$0x0], $0xffff  }
0xe1: {  	v13 =	vld.idx.msk [tilespmem:v2+s2+$0x0], $0xffff  }
0xe2: {  	v14 =	vld.idx.msk [tilespmem:v3+s2+$0x0], $0xffff  }
0xe3: {  	s23 =	simm.s32 $0x200;
	v16 =	vld.idx.msk [tilespmem:v4+s2+$0x0], $0xffff  }
0xe4: {  	v3 =	vld [tilespmem:s23+$0x188E0]  }
0xe5: {  	v9 =	vld.idx.msk [tilespmem:v5+s2+$0x0], $0xffff  }
0xe6: {  	v17 =	vimm.f32 $0.0e+00;
	v2 =	vld [tilespmem:s23+$0x188C0]  }
0xe7: {  	v5 =	vld.idx.msk [tilespmem:v8+s2+$0x0], $0xffff;
	v6 =	vshll.u32 v11, $0x10;
	v0 =	vshll.u32 v10, $0x10;
	v1 =	vand.u32 $0xFFFF0000, v10  }
0xe8: {  	v4 =	vld [tilespmem:s23+$0x188A0];
	v12 =	vshll.u32 v13, $0x10;
	v13 =	vand.u32 $0xFFFF0000, v13;
	v11 =	vand.u32 $0xFFFF0000, v11  }
0xe9: {  	v7 =	vld.idx.msk [tilespmem:v7+s2+$0x0], $0xffff;
	v10 =	vshll.u32 v14, $0x10;
	v15 =	vand.u32 $0xFFFF0000, v14;
	v18 =	vshll.u32 v16, $0x10  }
0xea: {  	v8 =	vld [tilespmem:s23+$0x18880];
	v19 =	vand.u32 $0xFFFF0000, v16;
	v14 =	vadd.f32 v10, v17;
	v15 =	vadd.f32 v15, v17  }
0xeb: {  	s24 =	simm.s32 $0x1000;
	v10 =	vld [tilespmem:s23+$0x18890];
	v16 =	vadd.f32 v18, v17;
	v17 =	vadd.f32 v19, v17;
	v18 =	vshll.u32 v9, $0x10  }
.LBB2_9:
0xec: {  	p1 =	sne.s32 s24, $0xC000;
	v19 =	vld [tilespmem:s23+$0x188F0];
	v12 =	vadd.f32 v12, v14;
	v13 =	vadd.f32 v13, v15;
	v9 =	vand.u32 $0xFFFF0000, v9  }
0xed: {  	v14 =	vld [tilespmem:s23+$0x188B0];
	v15 =	vadd.f32 v18, v16;
	v9 =	vadd.f32 v9, v17;
	v16 =	vshll.u32 v5, $0x10  }
0xee: {  	v5 =	vand.u32 $0xFFFF0000, v5;
	v17 =	vld [tilespmem:s23+$0x188D0];
	v6 =	vadd.f32 v6, v12;
	v11 =	vadd.f32 v11, v13  }
0xef: {  	v12 =	vld.idx.msk [tilespmem:v3+s2+$0x0], $0xffff;
	v3 =	vadd.f32 v16, v15;
	v5 =	vadd.f32 v5, v9;
	v9 =	vshll.u32 v7, $0x10  }
0xf0: {  	v15 =	vld.idx.msk [tilespmem:v2+s2+$0x0], $0xffff;
	v16 =	vadd.f32 v0, v6;
	v18 =	vadd.f32 v1, v11;
	v0 =	vand.u32 $0xFFFF0000, v7  }
0xf1: {  	v7 =	vld.idx.msk [tilespmem:v4+s2+$0x0], $0xffff;
	v20 =	vadd.f32 v9, v3;
	v21 =	vadd.f32 v0, v5  }
0xf2: {  	v8 =	vld.idx.msk [tilespmem:v8+s2+$0x0], $0xffff  }
0xf3: {  	s23 =	sshra.s32 s24, $0x2;
	v10 =	vld.idx.msk [tilespmem:v10+s2+$0x0], $0xffff  }
0xf4: {  	v3 =	vld [tilespmem:s23+$0x188E0]  }
0xf5: {  	v9 =	vld.idx.msk [tilespmem:v14+s2+$0x0], $0xffff  }
0xf6: {  	v2 =	vld [tilespmem:s23+$0x188C0]  }
.Ltmp3:
0xf7: {  	v0 =	vshll.u32 v12, $0x10;
	v1 =	vand.u32 $0xFFFF0000, v12;
	v6 =	vshll.u32 v15, $0x10;
	v5 =	vld.idx.msk [tilespmem:v17+s2+$0x0], $0xffff;
	(pc) =	sbr.rel @p1 .LBB2_9-.Ltmp3, $4  }
0xf8: {  	v11 =	vand.u32 $0xFFFF0000, v15;
	v12 =	vshll.u32 v7, $0x10;
	v13 =	vand.u32 $0xFFFF0000, v7;
	v4 =	vld [tilespmem:s23+$0x188A0]  }
0xf9: {  	v14 =	vshll.u32 v8, $0x10;
	v15 =	vand.u32 $0xFFFF0000, v8;
	v17 =	vshll.u32 v10, $0x10;
	v7 =	vld.idx.msk [tilespmem:v19+s2+$0x0], $0xffff  }
0xfa: {  	v14 =	vadd.f32 v14, v16;
	v15 =	vadd.f32 v15, v18;
	v18 =	vand.u32 $0xFFFF0000, v10;
	v8 =	vld [tilespmem:s23+$0x18880]  }
0xfb: {  	s24 =	sadd.s32 $0x800, s24;
	v16 =	vadd.f32 v17, v20;
	v17 =	vadd.f32 v18, v21;
	v18 =	vshll.u32 v9, $0x10;
	v10 =	vld [tilespmem:s23+$0x18890]  }
0xfc: {  	_ = 	snop  }
0xfd: {  	v19 =	vld [tilespmem:s23+$0x188F0]  }
0xfe: {  	v20 =	vld [tilespmem:s23+$0x188B0]  }
0xff: {  	v21 =	vld [tilespmem:s23+$0x188D0]  }
0x100: {  	v3 =	vld.idx.msk [tilespmem:v3+s2+$0x0], $0xffff  }
0x101: {  	v12 =	vadd.f32 v12, v14;
	v13 =	vadd.f32 v13, v15;
	v9 =	vand.u32 $0xFFFF0000, v9;
	v2 =	vld.idx.msk [tilespmem:v2+s2+$0x0], $0xffff  }
0x102: {  	v15 =	vshll.u32 v5, $0x10;
	v14 =	vadd.f32 v18, v16;
	v9 =	vadd.f32 v9, v17;
	v4 =	vld.idx.msk [tilespmem:v4+s2+$0x0], $0xffff  }
0x103: {  	v5 =	vand.u32 $0xFFFF0000, v5;
	v6 =	vadd.f32 v6, v12;
	v11 =	vadd.f32 v11, v13;
	v8 =	vld.idx.msk [tilespmem:v8+s2+$0x0], $0xffff  }
0x104: {  	v12 =	vadd.f32 v15, v14;
	v5 =	vadd.f32 v5, v9;
	v9 =	vshll.u32 v7, $0x10;
	v10 =	vld.idx.msk [tilespmem:v10+s2+$0x0], $0xffff  }
0x105: {  	v0 =	vadd.f32 v0, v6;
	v1 =	vadd.f32 v1, v11;
	v6 =	vand.u32 $0xFFFF0000, v7  }
0x106: {  	v7 =	vadd.f32 v9, v12;
	v5 =	vadd.f32 v6, v5;
	v6 =	vld.idx.msk [tilespmem:v20+s2+$0x0], $0xffff  }
0x107: {  	v9 =	vshll.u32 v2, $0x10;
	v11 =	vshll.u32 v3, $0x10;
	v3 =	vand.u32 $0xFFFF0000, v3  }
0x108: {  	v2 =	vand.u32 $0xFFFF0000, v2;
	v13 =	vshll.u32 v4, $0x10;
	v4 =	vand.u32 $0xFFFF0000, v4;
	v12 =	vld.idx.msk [tilespmem:v21+s2+$0x0], $0xffff  }
0x109: {  	v14 =	vshll.u32 v8, $0x10;
	v8 =	vand.u32 $0xFFFF0000, v8;
	v15 =	vshll.u32 v10, $0x10  }
0x10a: {  	v16 =	vld.idx.msk [tilespmem:v19+s2+$0x0], $0xffff;
	v0 =	vadd.f32 v14, v0;
	v10 =	vand.u32 $0xFFFF0000, v10;
	v7 =	vadd.f32 v15, v7  }
0x10b: {  	v1 =	vadd.f32 v8, v1;
	v5 =	vadd.f32 v10, v5;
	v8 =	vshll.u32 v6, $0x10  }
0x10c: {  	v0 =	vadd.f32 v13, v0;
	v6 =	vand.u32 $0xFFFF0000, v6;
	v7 =	vadd.f32 v8, v7  }
0x10d: {  	v1 =	vadd.f32 v4, v1;
	v4 =	vadd.f32 v6, v5;
	v5 =	vshll.u32 v12, $0x10  }
0x10e: {  	v0 =	vadd.f32 v9, v0;
	v6 =	vand.u32 $0xFFFF0000, v12;
	v5 =	vadd.f32 v5, v7  }
0x10f: {  	v1 =	vadd.f32 v2, v1;
	v2 =	vadd.f32 v6, v4;
	v4 =	vshll.u32 v16, $0x10  }
0x110: {  	v0 =	vadd.f32 v11, v0;
	v6 =	vand.u32 $0xFFFF0000, v16;
	v4 =	vadd.f32 v4, v5  }
0x111: {  	v1 =	vadd.f32 v3, v1;
	v2 =	vadd.f32 v6, v2  }
0x112: {  	v0 =	vadd.f32 v4, v0  }
0x113: {  	v1 =	vadd.f32 v2, v1  }
0x114: {  	[tilespmem:s21+$0x1EB30] =	vst v0  }
0x115: {  	s22 =	sxor.u32 $0x1, s22;
	[tilespmem:s21+$0x1EBB0] =	vst v1  }
0x116: {  	s22 =	smul.u32 $0xC80, s22;
	_ =	swait.ge [sflag:s18], $0x3200  }
0x117: {  	[sflag:s18] =	ssyncset.done $0x0  }
0x118: {  	s31 =	simm.s32 $0x0;
	s22 =	sadd.s32 s3, s22;
	[sflag:s18] =	ssyncadd.s32 $0xFFFFCE00  }
0x119: {  	[tilespmem:s15], [sflag:$0x1] =	stream.strided.gather [hbm4b:s22+s13], $0x3200, s14, s13, $0x38;
	[tilespmem:$0x1ED00] =	vst v63  }
0x11a: {  	v0 =	vld [tilespmem:s31+$0x1B960]  }
0x11b: {  	v1 =	vld [tilespmem:s31+$0x1B940]  }
0x11c: {  	v2 =	vld [tilespmem:s31+$0x1B920]  }
0x11d: {  	v3 =	vld [tilespmem:s31+$0x1B900]  }
0x11e: {  	v4 =	vld [tilespmem:s31+$0x1B910]  }
0x11f: {  	v7 =	vld [tilespmem:s31+$0x1B970]  }
0x120: {  	v5 =	vld [tilespmem:s31+$0x1B930]  }
0x121: {  	v8 =	vld [tilespmem:s31+$0x1B950]  }
0x122: {  	v10 =	vld.idx.msk [tilespmem:v0+s2+$0x0], $0xffff  }
0x123: {  	v11 =	vld.idx.msk [tilespmem:v1+s2+$0x0], $0xffff  }
0x124: {  	v13 =	vld.idx.msk [tilespmem:v2+s2+$0x0], $0xffff  }
0x125: {  	v14 =	vld.idx.msk [tilespmem:v3+s2+$0x0], $0xffff  }
0x126: {  	s22 =	simm.s32 $0x200;
	v16 =	vld.idx.msk [tilespmem:v4+s2+$0x0], $0xffff  }
0x127: {  	v3 =	vld [tilespmem:s22+$0x1B960]  }
0x128: {  	v9 =	vld.idx.msk [tilespmem:v5+s2+$0x0], $0xffff  }
0x129: {  	v17 =	vimm.f32 $0.0e+00;
	v2 =	vld [tilespmem:s22+$0x1B940]  }
0x12a: {  	v5 =	vld.idx.msk [tilespmem:v8+s2+$0x0], $0xffff;
	v6 =	vshll.u32 v11, $0x10;
	v0 =	vshll.u32 v10, $0x10;
	v1 =	vand.u32 $0xFFFF0000, v10  }
0x12b: {  	v4 =	vld [tilespmem:s22+$0x1B920];
	v12 =	vshll.u32 v13, $0x10;
	v13 =	vand.u32 $0xFFFF0000, v13;
	v11 =	vand.u32 $0xFFFF0000, v11  }
0x12c: {  	v7 =	vld.idx.msk [tilespmem:v7+s2+$0x0], $0xffff;
	v10 =	vshll.u32 v14, $0x10;
	v15 =	vand.u32 $0xFFFF0000, v14;
	v18 =	vshll.u32 v16, $0x10  }
0x12d: {  	v8 =	vld [tilespmem:s22+$0x1B900];
	v19 =	vand.u32 $0xFFFF0000, v16;
	v14 =	vadd.f32 v10, v17;
	v15 =	vadd.f32 v15, v17  }
0x12e: {  	s23 =	simm.s32 $0x1000;
	v10 =	vld [tilespmem:s22+$0x1B910];
	v16 =	vadd.f32 v18, v17;
	v17 =	vadd.f32 v19, v17;
	v18 =	vshll.u32 v9, $0x10  }
.LBB2_11:
0x12f: {  	p1 =	sne.s32 s23, $0xC000;
	v19 =	vld [tilespmem:s22+$0x1B970];
	v12 =	vadd.f32 v12, v14;
	v13 =	vadd.f32 v13, v15;
	v9 =	vand.u32 $0xFFFF0000, v9  }
0x130: {  	v14 =	vld [tilespmem:s22+$0x1B930];
	v15 =	vadd.f32 v18, v16;
	v9 =	vadd.f32 v9, v17;
	v16 =	vshll.u32 v5, $0x10  }
0x131: {  	v5 =	vand.u32 $0xFFFF0000, v5;
	v17 =	vld [tilespmem:s22+$0x1B950];
	v6 =	vadd.f32 v6, v12;
	v11 =	vadd.f32 v11, v13  }
0x132: {  	v12 =	vld.idx.msk [tilespmem:v3+s2+$0x0], $0xffff;
	v3 =	vadd.f32 v16, v15;
	v5 =	vadd.f32 v5, v9;
	v9 =	vshll.u32 v7, $0x10  }
0x133: {  	v15 =	vld.idx.msk [tilespmem:v2+s2+$0x0], $0xffff;
	v16 =	vadd.f32 v0, v6;
	v18 =	vadd.f32 v1, v11;
	v0 =	vand.u32 $0xFFFF0000, v7  }
0x134: {  	v7 =	vld.idx.msk [tilespmem:v4+s2+$0x0], $0xffff;
	v20 =	vadd.f32 v9, v3;
	v21 =	vadd.f32 v0, v5  }
0x135: {  	v8 =	vld.idx.msk [tilespmem:v8+s2+$0x0], $0xffff  }
0x136: {  	s22 =	sshra.s32 s23, $0x2;
	v10 =	vld.idx.msk [tilespmem:v10+s2+$0x0], $0xffff  }
0x137: {  	v3 =	vld [tilespmem:s22+$0x1B960]  }
0x138: {  	v9 =	vld.idx.msk [tilespmem:v14+s2+$0x0], $0xffff  }
0x139: {  	v2 =	vld [tilespmem:s22+$0x1B940]  }
.Ltmp4:
0x13a: {  	v0 =	vshll.u32 v12, $0x10;
	v1 =	vand.u32 $0xFFFF0000, v12;
	v6 =	vshll.u32 v15, $0x10;
	v5 =	vld.idx.msk [tilespmem:v17+s2+$0x0], $0xffff;
	(pc) =	sbr.rel @p1 .LBB2_11-.Ltmp4, $4  }
0x13b: {  	v11 =	vand.u32 $0xFFFF0000, v15;
	v12 =	vshll.u32 v7, $0x10;
	v13 =	vand.u32 $0xFFFF0000, v7;
	v4 =	vld [tilespmem:s22+$0x1B920]  }
0x13c: {  	v14 =	vshll.u32 v8, $0x10;
	v15 =	vand.u32 $0xFFFF0000, v8;
	v17 =	vshll.u32 v10, $0x10;
	v7 =	vld.idx.msk [tilespmem:v19+s2+$0x0], $0xffff  }
0x13d: {  	v14 =	vadd.f32 v14, v16;
	v15 =	vadd.f32 v15, v18;
	v18 =	vand.u32 $0xFFFF0000, v10;
	v8 =	vld [tilespmem:s22+$0x1B900]  }
0x13e: {  	s23 =	sadd.s32 $0x800, s23;
	v16 =	vadd.f32 v17, v20;
	v17 =	vadd.f32 v18, v21;
	v18 =	vshll.u32 v9, $0x10;
	v10 =	vld [tilespmem:s22+$0x1B910]  }
0x13f: {  	_ = 	snop  }
0x140: {  	v19 =	vld [tilespmem:s22+$0x1B970]  }
0x141: {  	v20 =	vld [tilespmem:s22+$0x1B930]  }
0x142: {  	v21 =	vld [tilespmem:s22+$0x1B950]  }
0x143: {  	v3 =	vld.idx.msk [tilespmem:v3+s2+$0x0], $0xffff  }
0x144: {  	v12 =	vadd.f32 v12, v14;
	v13 =	vadd.f32 v13, v15;
	v9 =	vand.u32 $0xFFFF0000, v9;
	v2 =	vld.idx.msk [tilespmem:v2+s2+$0x0], $0xffff  }
0x145: {  	v15 =	vshll.u32 v5, $0x10;
	v14 =	vadd.f32 v18, v16;
	v9 =	vadd.f32 v9, v17;
	v4 =	vld.idx.msk [tilespmem:v4+s2+$0x0], $0xffff  }
0x146: {  	v5 =	vand.u32 $0xFFFF0000, v5;
	v6 =	vadd.f32 v6, v12;
	v11 =	vadd.f32 v11, v13;
	v8 =	vld.idx.msk [tilespmem:v8+s2+$0x0], $0xffff  }
0x147: {  	v12 =	vadd.f32 v15, v14;
	v5 =	vadd.f32 v5, v9;
	v9 =	vshll.u32 v7, $0x10;
	v10 =	vld.idx.msk [tilespmem:v10+s2+$0x0], $0xffff  }
0x148: {  	v0 =	vadd.f32 v0, v6;
	v1 =	vadd.f32 v1, v11;
	v6 =	vand.u32 $0xFFFF0000, v7  }
0x149: {  	v7 =	vadd.f32 v9, v12;
	v5 =	vadd.f32 v6, v5;
	v6 =	vld.idx.msk [tilespmem:v20+s2+$0x0], $0xffff  }
0x14a: {  	v9 =	vshll.u32 v2, $0x10;
	v11 =	vshll.u32 v3, $0x10;
	v3 =	vand.u32 $0xFFFF0000, v3  }
0x14b: {  	v2 =	vand.u32 $0xFFFF0000, v2;
	v13 =	vshll.u32 v4, $0x10;
	v4 =	vand.u32 $0xFFFF0000, v4;
	v12 =	vld.idx.msk [tilespmem:v21+s2+$0x0], $0xffff  }
0x14c: {  	v14 =	vshll.u32 v8, $0x10;
	v8 =	vand.u32 $0xFFFF0000, v8;
	v15 =	vshll.u32 v10, $0x10  }
0x14d: {  	v16 =	vld.idx.msk [tilespmem:v19+s2+$0x0], $0xffff;
	v0 =	vadd.f32 v14, v0;
	v10 =	vand.u32 $0xFFFF0000, v10;
	v7 =	vadd.f32 v15, v7  }
0x14e: {  	v1 =	vadd.f32 v8, v1;
	v5 =	vadd.f32 v10, v5;
	v8 =	vshll.u32 v6, $0x10  }
0x14f: {  	v0 =	vadd.f32 v13, v0;
	v6 =	vand.u32 $0xFFFF0000, v6;
	v7 =	vadd.f32 v8, v7  }
0x150: {  	v1 =	vadd.f32 v4, v1;
	v4 =	vadd.f32 v6, v5;
	v5 =	vshll.u32 v12, $0x10  }
0x151: {  	v0 =	vadd.f32 v9, v0;
	v6 =	vand.u32 $0xFFFF0000, v12;
	v5 =	vadd.f32 v5, v7  }
0x152: {  	v1 =	vadd.f32 v2, v1;
	v2 =	vadd.f32 v6, v4;
	v4 =	vshll.u32 v16, $0x10  }
0x153: {  	v0 =	vadd.f32 v11, v0;
	v6 =	vand.u32 $0xFFFF0000, v16;
	v4 =	vadd.f32 v4, v5  }
0x154: {  	v1 =	vadd.f32 v3, v1;
	v2 =	vadd.f32 v6, v2  }
0x155: {  	v0 =	vadd.f32 v4, v0  }
0x156: {  	v1 =	vadd.f32 v2, v1  }
0x157: {  	[tilespmem:s21+$0x1EB40] =	vst v0  }
0x158: {  	s31 =	simm.s32 $0x0;
	[tilespmem:s21+$0x1EBC0] =	vst v1  }
0x159: {  	v0 =	vld [tilespmem:s31+$0x1B9E0]  }
0x15a: {  	v1 =	vld [tilespmem:s31+$0x1B9C0]  }
0x15b: {  	v2 =	vld [tilespmem:s31+$0x1B9A0]  }
0x15c: {  	v3 =	vld [tilespmem:s31+$0x1B980]  }
0x15d: {  	v4 =	vld [tilespmem:s31+$0x1B990]  }
0x15e: {  	v7 =	vld [tilespmem:s31+$0x1B9F0]  }
0x15f: {  	v5 =	vld [tilespmem:s31+$0x1B9B0]  }
0x160: {  	v8 =	vld [tilespmem:s31+$0x1B9D0]  }
0x161: {  	v10 =	vld.idx.msk [tilespmem:v0+s2+$0x0], $0xffff  }
0x162: {  	v11 =	vld.idx.msk [tilespmem:v1+s2+$0x0], $0xffff  }
0x163: {  	v13 =	vld.idx.msk [tilespmem:v2+s2+$0x0], $0xffff  }
0x164: {  	v14 =	vld.idx.msk [tilespmem:v3+s2+$0x0], $0xffff  }
0x165: {  	s22 =	simm.s32 $0x200;
	v16 =	vld.idx.msk [tilespmem:v4+s2+$0x0], $0xffff  }
0x166: {  	v3 =	vld [tilespmem:s22+$0x1B9E0]  }
0x167: {  	v9 =	vld.idx.msk [tilespmem:v5+s2+$0x0], $0xffff  }
0x168: {  	v17 =	vimm.f32 $0.0e+00;
	v2 =	vld [tilespmem:s22+$0x1B9C0]  }
0x169: {  	v5 =	vld.idx.msk [tilespmem:v8+s2+$0x0], $0xffff;
	v6 =	vshll.u32 v11, $0x10;
	v0 =	vshll.u32 v10, $0x10;
	v1 =	vand.u32 $0xFFFF0000, v10  }
0x16a: {  	v4 =	vld [tilespmem:s22+$0x1B9A0];
	v12 =	vshll.u32 v13, $0x10;
	v13 =	vand.u32 $0xFFFF0000, v13;
	v11 =	vand.u32 $0xFFFF0000, v11  }
0x16b: {  	v7 =	vld.idx.msk [tilespmem:v7+s2+$0x0], $0xffff;
	v10 =	vshll.u32 v14, $0x10;
	v15 =	vand.u32 $0xFFFF0000, v14;
	v18 =	vshll.u32 v16, $0x10  }
0x16c: {  	v8 =	vld [tilespmem:s22+$0x1B980];
	v19 =	vand.u32 $0xFFFF0000, v16;
	v14 =	vadd.f32 v10, v17;
	v15 =	vadd.f32 v15, v17  }
0x16d: {  	s23 =	simm.s32 $0x1000;
	v10 =	vld [tilespmem:s22+$0x1B990];
	v16 =	vadd.f32 v18, v17;
	v17 =	vadd.f32 v19, v17;
	v18 =	vshll.u32 v9, $0x10  }
.LBB2_13:
0x16e: {  	p1 =	sne.s32 s23, $0xC000;
	v19 =	vld [tilespmem:s22+$0x1B9F0];
	v12 =	vadd.f32 v12, v14;
	v13 =	vadd.f32 v13, v15;
	v9 =	vand.u32 $0xFFFF0000, v9  }
0x16f: {  	v14 =	vld [tilespmem:s22+$0x1B9B0];
	v15 =	vadd.f32 v18, v16;
	v9 =	vadd.f32 v9, v17;
	v16 =	vshll.u32 v5, $0x10  }
0x170: {  	v5 =	vand.u32 $0xFFFF0000, v5;
	v17 =	vld [tilespmem:s22+$0x1B9D0];
	v6 =	vadd.f32 v6, v12;
	v11 =	vadd.f32 v11, v13  }
0x171: {  	v12 =	vld.idx.msk [tilespmem:v3+s2+$0x0], $0xffff;
	v3 =	vadd.f32 v16, v15;
	v5 =	vadd.f32 v5, v9;
	v9 =	vshll.u32 v7, $0x10  }
0x172: {  	v15 =	vld.idx.msk [tilespmem:v2+s2+$0x0], $0xffff;
	v16 =	vadd.f32 v0, v6;
	v18 =	vadd.f32 v1, v11;
	v0 =	vand.u32 $0xFFFF0000, v7  }
0x173: {  	v7 =	vld.idx.msk [tilespmem:v4+s2+$0x0], $0xffff;
	v20 =	vadd.f32 v9, v3;
	v21 =	vadd.f32 v0, v5  }
0x174: {  	v8 =	vld.idx.msk [tilespmem:v8+s2+$0x0], $0xffff  }
0x175: {  	s22 =	sshra.s32 s23, $0x2;
	v10 =	vld.idx.msk [tilespmem:v10+s2+$0x0], $0xffff  }
0x176: {  	v3 =	vld [tilespmem:s22+$0x1B9E0]  }
0x177: {  	v9 =	vld.idx.msk [tilespmem:v14+s2+$0x0], $0xffff  }
0x178: {  	v2 =	vld [tilespmem:s22+$0x1B9C0]  }
.Ltmp5:
0x179: {  	v0 =	vshll.u32 v12, $0x10;
	v1 =	vand.u32 $0xFFFF0000, v12;
	v6 =	vshll.u32 v15, $0x10;
	v5 =	vld.idx.msk [tilespmem:v17+s2+$0x0], $0xffff;
	(pc) =	sbr.rel @p1 .LBB2_13-.Ltmp5, $4  }
0x17a: {  	v11 =	vand.u32 $0xFFFF0000, v15;
	v12 =	vshll.u32 v7, $0x10;
	v13 =	vand.u32 $0xFFFF0000, v7;
	v4 =	vld [tilespmem:s22+$0x1B9A0]  }
0x17b: {  	v14 =	vshll.u32 v8, $0x10;
	v15 =	vand.u32 $0xFFFF0000, v8;
	v17 =	vshll.u32 v10, $0x10;
	v7 =	vld.idx.msk [tilespmem:v19+s2+$0x0], $0xffff  }
0x17c: {  	v14 =	vadd.f32 v14, v16;
	v15 =	vadd.f32 v15, v18;
	v18 =	vand.u32 $0xFFFF0000, v10;
	v8 =	vld [tilespmem:s22+$0x1B980]  }
0x17d: {  	s23 =	sadd.s32 $0x800, s23;
	v16 =	vadd.f32 v17, v20;
	v17 =	vadd.f32 v18, v21;
	v18 =	vshll.u32 v9, $0x10;
	v10 =	vld [tilespmem:s22+$0x1B990]  }
0x17e: {  	_ = 	snop  }
0x17f: {  	v19 =	vld [tilespmem:s22+$0x1B9F0]  }
0x180: {  	v20 =	vld [tilespmem:s22+$0x1B9B0]  }
0x181: {  	v21 =	vld [tilespmem:s22+$0x1B9D0]  }
0x182: {  	v3 =	vld.idx.msk [tilespmem:v3+s2+$0x0], $0xffff  }
0x183: {  	v12 =	vadd.f32 v12, v14;
	v13 =	vadd.f32 v13, v15;
	v9 =	vand.u32 $0xFFFF0000, v9;
	v2 =	vld.idx.msk [tilespmem:v2+s2+$0x0], $0xffff  }
0x184: {  	v15 =	vshll.u32 v5, $0x10;
	v14 =	vadd.f32 v18, v16;
	v9 =	vadd.f32 v9, v17;
	v4 =	vld.idx.msk [tilespmem:v4+s2+$0x0], $0xffff  }
0x185: {  	v5 =	vand.u32 $0xFFFF0000, v5;
	v6 =	vadd.f32 v6, v12;
	v11 =	vadd.f32 v11, v13;
	v8 =	vld.idx.msk [tilespmem:v8+s2+$0x0], $0xffff  }
0x186: {  	v12 =	vadd.f32 v15, v14;
	v5 =	vadd.f32 v5, v9;
	v9 =	vshll.u32 v7, $0x10;
	v10 =	vld.idx.msk [tilespmem:v10+s2+$0x0], $0xffff  }
0x187: {  	v0 =	vadd.f32 v0, v6;
	v1 =	vadd.f32 v1, v11;
	v6 =	vand.u32 $0xFFFF0000, v7  }
0x188: {  	v7 =	vadd.f32 v9, v12;
	v5 =	vadd.f32 v6, v5;
	v6 =	vld.idx.msk [tilespmem:v20+s2+$0x0], $0xffff  }
0x189: {  	v9 =	vshll.u32 v2, $0x10;
	v11 =	vshll.u32 v3, $0x10;
	v3 =	vand.u32 $0xFFFF0000, v3  }
0x18a: {  	v2 =	vand.u32 $0xFFFF0000, v2;
	v13 =	vshll.u32 v4, $0x10;
	v4 =	vand.u32 $0xFFFF0000, v4;
	v12 =	vld.idx.msk [tilespmem:v21+s2+$0x0], $0xffff  }
0x18b: {  	v14 =	vshll.u32 v8, $0x10;
	v8 =	vand.u32 $0xFFFF0000, v8;
	v15 =	vshll.u32 v10, $0x10  }
0x18c: {  	v16 =	vld.idx.msk [tilespmem:v19+s2+$0x0], $0xffff;
	v0 =	vadd.f32 v14, v0;
	v10 =	vand.u32 $0xFFFF0000, v10;
	v7 =	vadd.f32 v15, v7  }
0x18d: {  	v1 =	vadd.f32 v8, v1;
	v5 =	vadd.f32 v10, v5;
	v8 =	vshll.u32 v6, $0x10  }
0x18e: {  	v0 =	vadd.f32 v13, v0;
	v6 =	vand.u32 $0xFFFF0000, v6;
	v7 =	vadd.f32 v8, v7  }
0x18f: {  	v1 =	vadd.f32 v4, v1;
	v4 =	vadd.f32 v6, v5;
	v5 =	vshll.u32 v12, $0x10  }
0x190: {  	v0 =	vadd.f32 v9, v0;
	v6 =	vand.u32 $0xFFFF0000, v12;
	v5 =	vadd.f32 v5, v7  }
0x191: {  	v1 =	vadd.f32 v2, v1;
	v2 =	vadd.f32 v6, v4;
	v4 =	vshll.u32 v16, $0x10  }
0x192: {  	v0 =	vadd.f32 v11, v0;
	v6 =	vand.u32 $0xFFFF0000, v16;
	v4 =	vadd.f32 v4, v5  }
0x193: {  	v1 =	vadd.f32 v3, v1;
	v2 =	vadd.f32 v6, v2  }
0x194: {  	v0 =	vadd.f32 v4, v0  }
0x195: {  	v1 =	vadd.f32 v2, v1  }
0x196: {  	[tilespmem:s21+$0x1EB50] =	vst v0  }
0x197: {  	s31 =	simm.s32 $0x0;
	[tilespmem:s21+$0x1EBD0] =	vst v1  }
0x198: {  	v0 =	vld [tilespmem:s31+$0x1BA60]  }
0x199: {  	v1 =	vld [tilespmem:s31+$0x1BA40]  }
0x19a: {  	v2 =	vld [tilespmem:s31+$0x1BA20]  }
0x19b: {  	v3 =	vld [tilespmem:s31+$0x1BA00]  }
0x19c: {  	v4 =	vld [tilespmem:s31+$0x1BA10]  }
0x19d: {  	v7 =	vld [tilespmem:s31+$0x1BA70]  }
0x19e: {  	v5 =	vld [tilespmem:s31+$0x1BA30]  }
0x19f: {  	v8 =	vld [tilespmem:s31+$0x1BA50]  }
0x1a0: {  	v10 =	vld.idx.msk [tilespmem:v0+s2+$0x0], $0xffff  }
0x1a1: {  	v11 =	vld.idx.msk [tilespmem:v1+s2+$0x0], $0xffff  }
0x1a2: {  	v13 =	vld.idx.msk [tilespmem:v2+s2+$0x0], $0xffff  }
0x1a3: {  	v14 =	vld.idx.msk [tilespmem:v3+s2+$0x0], $0xffff  }
0x1a4: {  	s22 =	simm.s32 $0x200;
	v16 =	vld.idx.msk [tilespmem:v4+s2+$0x0], $0xffff  }
0x1a5: {  	v3 =	vld [tilespmem:s22+$0x1BA60]  }
0x1a6: {  	v9 =	vld.idx.msk [tilespmem:v5+s2+$0x0], $0xffff  }
0x1a7: {  	v17 =	vimm.f32 $0.0e+00;
	v2 =	vld [tilespmem:s22+$0x1BA40]  }
0x1a8: {  	v5 =	vld.idx.msk [tilespmem:v8+s2+$0x0], $0xffff;
	v6 =	vshll.u32 v11, $0x10;
	v0 =	vshll.u32 v10, $0x10;
	v1 =	vand.u32 $0xFFFF0000, v10  }
0x1a9: {  	v4 =	vld [tilespmem:s22+$0x1BA20];
	v12 =	vshll.u32 v13, $0x10;
	v13 =	vand.u32 $0xFFFF0000, v13;
	v11 =	vand.u32 $0xFFFF0000, v11  }
0x1aa: {  	v7 =	vld.idx.msk [tilespmem:v7+s2+$0x0], $0xffff;
	v10 =	vshll.u32 v14, $0x10;
	v15 =	vand.u32 $0xFFFF0000, v14;
	v18 =	vshll.u32 v16, $0x10  }
0x1ab: {  	v8 =	vld [tilespmem:s22+$0x1BA00];
	v19 =	vand.u32 $0xFFFF0000, v16;
	v14 =	vadd.f32 v10, v17;
	v15 =	vadd.f32 v15, v17  }
0x1ac: {  	s23 =	simm.s32 $0x1000;
	v10 =	vld [tilespmem:s22+$0x1BA10];
	v16 =	vadd.f32 v18, v17;
	v17 =	vadd.f32 v19, v17;
	v18 =	vshll.u32 v9, $0x10  }
.LBB2_15:
0x1ad: {  	p1 =	sne.s32 s23, $0xC000;
	v19 =	vld [tilespmem:s22+$0x1BA70];
	v12 =	vadd.f32 v12, v14;
	v13 =	vadd.f32 v13, v15;
	v9 =	vand.u32 $0xFFFF0000, v9  }
0x1ae: {  	v14 =	vld [tilespmem:s22+$0x1BA30];
	v15 =	vadd.f32 v18, v16;
	v9 =	vadd.f32 v9, v17;
	v16 =	vshll.u32 v5, $0x10  }
0x1af: {  	v5 =	vand.u32 $0xFFFF0000, v5;
	v17 =	vld [tilespmem:s22+$0x1BA50];
	v6 =	vadd.f32 v6, v12;
	v11 =	vadd.f32 v11, v13  }
0x1b0: {  	v12 =	vld.idx.msk [tilespmem:v3+s2+$0x0], $0xffff;
	v3 =	vadd.f32 v16, v15;
	v5 =	vadd.f32 v5, v9;
	v9 =	vshll.u32 v7, $0x10  }
0x1b1: {  	v15 =	vld.idx.msk [tilespmem:v2+s2+$0x0], $0xffff;
	v16 =	vadd.f32 v0, v6;
	v18 =	vadd.f32 v1, v11;
	v0 =	vand.u32 $0xFFFF0000, v7  }
0x1b2: {  	v7 =	vld.idx.msk [tilespmem:v4+s2+$0x0], $0xffff;
	v20 =	vadd.f32 v9, v3;
	v21 =	vadd.f32 v0, v5  }
0x1b3: {  	v8 =	vld.idx.msk [tilespmem:v8+s2+$0x0], $0xffff  }
0x1b4: {  	s22 =	sshra.s32 s23, $0x2;
	v10 =	vld.idx.msk [tilespmem:v10+s2+$0x0], $0xffff  }
0x1b5: {  	v3 =	vld [tilespmem:s22+$0x1BA60]  }
0x1b6: {  	v9 =	vld.idx.msk [tilespmem:v14+s2+$0x0], $0xffff  }
0x1b7: {  	v2 =	vld [tilespmem:s22+$0x1BA40]  }
.Ltmp6:
0x1b8: {  	v0 =	vshll.u32 v12, $0x10;
	v1 =	vand.u32 $0xFFFF0000, v12;
	v6 =	vshll.u32 v15, $0x10;
	v5 =	vld.idx.msk [tilespmem:v17+s2+$0x0], $0xffff;
	(pc) =	sbr.rel @p1 .LBB2_15-.Ltmp6, $4  }
0x1b9: {  	v11 =	vand.u32 $0xFFFF0000, v15;
	v12 =	vshll.u32 v7, $0x10;
	v13 =	vand.u32 $0xFFFF0000, v7;
	v4 =	vld [tilespmem:s22+$0x1BA20]  }
0x1ba: {  	v14 =	vshll.u32 v8, $0x10;
	v15 =	vand.u32 $0xFFFF0000, v8;
	v17 =	vshll.u32 v10, $0x10;
	v7 =	vld.idx.msk [tilespmem:v19+s2+$0x0], $0xffff  }
0x1bb: {  	v14 =	vadd.f32 v14, v16;
	v15 =	vadd.f32 v15, v18;
	v18 =	vand.u32 $0xFFFF0000, v10;
	v8 =	vld [tilespmem:s22+$0x1BA00]  }
0x1bc: {  	s23 =	sadd.s32 $0x800, s23;
	v16 =	vadd.f32 v17, v20;
	v17 =	vadd.f32 v18, v21;
	v18 =	vshll.u32 v9, $0x10;
	v10 =	vld [tilespmem:s22+$0x1BA10]  }
0x1bd: {  	_ = 	snop  }
0x1be: {  	v19 =	vld [tilespmem:s22+$0x1BA70]  }
0x1bf: {  	v20 =	vld [tilespmem:s22+$0x1BA30]  }
0x1c0: {  	v21 =	vld [tilespmem:s22+$0x1BA50]  }
0x1c1: {  	v3 =	vld.idx.msk [tilespmem:v3+s2+$0x0], $0xffff  }
0x1c2: {  	v12 =	vadd.f32 v12, v14;
	v13 =	vadd.f32 v13, v15;
	v9 =	vand.u32 $0xFFFF0000, v9;
	v2 =	vld.idx.msk [tilespmem:v2+s2+$0x0], $0xffff  }
0x1c3: {  	v15 =	vshll.u32 v5, $0x10;
	v14 =	vadd.f32 v18, v16;
	v9 =	vadd.f32 v9, v17;
	v4 =	vld.idx.msk [tilespmem:v4+s2+$0x0], $0xffff  }
0x1c4: {  	v5 =	vand.u32 $0xFFFF0000, v5;
	v6 =	vadd.f32 v6, v12;
	v11 =	vadd.f32 v11, v13;
	v8 =	vld.idx.msk [tilespmem:v8+s2+$0x0], $0xffff  }
0x1c5: {  	v12 =	vadd.f32 v15, v14;
	v5 =	vadd.f32 v5, v9;
	v9 =	vshll.u32 v7, $0x10;
	v10 =	vld.idx.msk [tilespmem:v10+s2+$0x0], $0xffff  }
0x1c6: {  	v0 =	vadd.f32 v0, v6;
	v1 =	vadd.f32 v1, v11;
	v6 =	vand.u32 $0xFFFF0000, v7  }
0x1c7: {  	v7 =	vadd.f32 v9, v12;
	v5 =	vadd.f32 v6, v5;
	v6 =	vld.idx.msk [tilespmem:v20+s2+$0x0], $0xffff  }
0x1c8: {  	v9 =	vshll.u32 v2, $0x10;
	v11 =	vshll.u32 v3, $0x10;
	v3 =	vand.u32 $0xFFFF0000, v3  }
0x1c9: {  	v2 =	vand.u32 $0xFFFF0000, v2;
	v13 =	vshll.u32 v4, $0x10;
	v4 =	vand.u32 $0xFFFF0000, v4;
	v12 =	vld.idx.msk [tilespmem:v21+s2+$0x0], $0xffff  }
0x1ca: {  	v14 =	vshll.u32 v8, $0x10;
	v8 =	vand.u32 $0xFFFF0000, v8;
	v15 =	vshll.u32 v10, $0x10  }
0x1cb: {  	v16 =	vld.idx.msk [tilespmem:v19+s2+$0x0], $0xffff;
	v0 =	vadd.f32 v14, v0;
	v10 =	vand.u32 $0xFFFF0000, v10;
	v7 =	vadd.f32 v15, v7  }
0x1cc: {  	v1 =	vadd.f32 v8, v1;
	v5 =	vadd.f32 v10, v5;
	v8 =	vshll.u32 v6, $0x10  }
0x1cd: {  	v0 =	vadd.f32 v13, v0;
	v6 =	vand.u32 $0xFFFF0000, v6;
	v7 =	vadd.f32 v8, v7  }
0x1ce: {  	v1 =	vadd.f32 v4, v1;
	v4 =	vadd.f32 v6, v5;
	v5 =	vshll.u32 v12, $0x10  }
0x1cf: {  	v0 =	vadd.f32 v9, v0;
	v6 =	vand.u32 $0xFFFF0000, v12;
	v5 =	vadd.f32 v5, v7  }
0x1d0: {  	v1 =	vadd.f32 v2, v1;
	v2 =	vadd.f32 v6, v4;
	v4 =	vshll.u32 v16, $0x10  }
0x1d1: {  	v0 =	vadd.f32 v11, v0;
	v6 =	vand.u32 $0xFFFF0000, v16;
	v4 =	vadd.f32 v4, v5  }
0x1d2: {  	v1 =	vadd.f32 v3, v1;
	v2 =	vadd.f32 v6, v2  }
0x1d3: {  	v0 =	vadd.f32 v4, v0  }
0x1d4: {  	v1 =	vadd.f32 v2, v1  }
0x1d5: {  	[tilespmem:s21+$0x1EB60] =	vst v0  }
0x1d6: {  	s31 =	simm.s32 $0x0;
	[tilespmem:s21+$0x1EBE0] =	vst v1  }
0x1d7: {  	v0 =	vld [tilespmem:s31+$0x1BAE0]  }
0x1d8: {  	v1 =	vld [tilespmem:s31+$0x1BAC0]  }
0x1d9: {  	v2 =	vld [tilespmem:s31+$0x1BAA0]  }
0x1da: {  	v3 =	vld [tilespmem:s31+$0x1BA80]  }
0x1db: {  	v4 =	vld [tilespmem:s31+$0x1BA90]  }
0x1dc: {  	v7 =	vld [tilespmem:s31+$0x1BAF0]  }
0x1dd: {  	v5 =	vld [tilespmem:s31+$0x1BAB0]  }
0x1de: {  	v8 =	vld [tilespmem:s31+$0x1BAD0]  }
0x1df: {  	v10 =	vld.idx.msk [tilespmem:v0+s2+$0x0], $0xffff  }
0x1e0: {  	v11 =	vld.idx.msk [tilespmem:v1+s2+$0x0], $0xffff  }
0x1e1: {  	v13 =	vld.idx.msk [tilespmem:v2+s2+$0x0], $0xffff  }
0x1e2: {  	v14 =	vld.idx.msk [tilespmem:v3+s2+$0x0], $0xffff  }
0x1e3: {  	s22 =	simm.s32 $0x200;
	v16 =	vld.idx.msk [tilespmem:v4+s2+$0x0], $0xffff  }
0x1e4: {  	v3 =	vld [tilespmem:s22+$0x1BAE0]  }
0x1e5: {  	v9 =	vld.idx.msk [tilespmem:v5+s2+$0x0], $0xffff  }
0x1e6: {  	v17 =	vimm.f32 $0.0e+00;
	v2 =	vld [tilespmem:s22+$0x1BAC0]  }
0x1e7: {  	v5 =	vld.idx.msk [tilespmem:v8+s2+$0x0], $0xffff;
	v6 =	vshll.u32 v11, $0x10;
	v0 =	vshll.u32 v10, $0x10;
	v1 =	vand.u32 $0xFFFF0000, v10  }
0x1e8: {  	v4 =	vld [tilespmem:s22+$0x1BAA0];
	v12 =	vshll.u32 v13, $0x10;
	v13 =	vand.u32 $0xFFFF0000, v13;
	v11 =	vand.u32 $0xFFFF0000, v11  }
0x1e9: {  	v7 =	vld.idx.msk [tilespmem:v7+s2+$0x0], $0xffff;
	v10 =	vshll.u32 v14, $0x10;
	v15 =	vand.u32 $0xFFFF0000, v14;
	v18 =	vshll.u32 v16, $0x10  }
0x1ea: {  	v8 =	vld [tilespmem:s22+$0x1BA80];
	v19 =	vand.u32 $0xFFFF0000, v16;
	v14 =	vadd.f32 v10, v17;
	v15 =	vadd.f32 v15, v17  }
0x1eb: {  	s23 =	simm.s32 $0x1000;
	v10 =	vld [tilespmem:s22+$0x1BA90];
	v16 =	vadd.f32 v18, v17;
	v17 =	vadd.f32 v19, v17;
	v18 =	vshll.u32 v9, $0x10  }
.LBB2_17:
0x1ec: {  	p1 =	sne.s32 s23, $0xC000;
	v19 =	vld [tilespmem:s22+$0x1BAF0];
	v12 =	vadd.f32 v12, v14;
	v13 =	vadd.f32 v13, v15;
	v9 =	vand.u32 $0xFFFF0000, v9  }
0x1ed: {  	v14 =	vld [tilespmem:s22+$0x1BAB0];
	v15 =	vadd.f32 v18, v16;
	v9 =	vadd.f32 v9, v17;
	v16 =	vshll.u32 v5, $0x10  }
0x1ee: {  	v5 =	vand.u32 $0xFFFF0000, v5;
	v17 =	vld [tilespmem:s22+$0x1BAD0];
	v6 =	vadd.f32 v6, v12;
	v11 =	vadd.f32 v11, v13  }
0x1ef: {  	v12 =	vld.idx.msk [tilespmem:v3+s2+$0x0], $0xffff;
	v3 =	vadd.f32 v16, v15;
	v5 =	vadd.f32 v5, v9;
	v9 =	vshll.u32 v7, $0x10  }
0x1f0: {  	v15 =	vld.idx.msk [tilespmem:v2+s2+$0x0], $0xffff;
	v16 =	vadd.f32 v0, v6;
	v18 =	vadd.f32 v1, v11;
	v0 =	vand.u32 $0xFFFF0000, v7  }
0x1f1: {  	v7 =	vld.idx.msk [tilespmem:v4+s2+$0x0], $0xffff;
	v20 =	vadd.f32 v9, v3;
	v21 =	vadd.f32 v0, v5  }
0x1f2: {  	v8 =	vld.idx.msk [tilespmem:v8+s2+$0x0], $0xffff  }
0x1f3: {  	s22 =	sshra.s32 s23, $0x2;
	v10 =	vld.idx.msk [tilespmem:v10+s2+$0x0], $0xffff  }
0x1f4: {  	v3 =	vld [tilespmem:s22+$0x1BAE0]  }
0x1f5: {  	v9 =	vld.idx.msk [tilespmem:v14+s2+$0x0], $0xffff  }
0x1f6: {  	v2 =	vld [tilespmem:s22+$0x1BAC0]  }
.Ltmp7:
0x1f7: {  	v0 =	vshll.u32 v12, $0x10;
	v1 =	vand.u32 $0xFFFF0000, v12;
	v6 =	vshll.u32 v15, $0x10;
	v5 =	vld.idx.msk [tilespmem:v17+s2+$0x0], $0xffff;
	(pc) =	sbr.rel @p1 .LBB2_17-.Ltmp7, $4  }
0x1f8: {  	v11 =	vand.u32 $0xFFFF0000, v15;
	v12 =	vshll.u32 v7, $0x10;
	v13 =	vand.u32 $0xFFFF0000, v7;
	v4 =	vld [tilespmem:s22+$0x1BAA0]  }
0x1f9: {  	v14 =	vshll.u32 v8, $0x10;
	v15 =	vand.u32 $0xFFFF0000, v8;
	v17 =	vshll.u32 v10, $0x10;
	v7 =	vld.idx.msk [tilespmem:v19+s2+$0x0], $0xffff  }
0x1fa: {  	v14 =	vadd.f32 v14, v16;
	v15 =	vadd.f32 v15, v18;
	v18 =	vand.u32 $0xFFFF0000, v10;
	v8 =	vld [tilespmem:s22+$0x1BA80]  }
0x1fb: {  	s23 =	sadd.s32 $0x800, s23;
	v16 =	vadd.f32 v17, v20;
	v17 =	vadd.f32 v18, v21;
	v18 =	vshll.u32 v9, $0x10;
	v10 =	vld [tilespmem:s22+$0x1BA90]  }
0x1fc: {  	_ = 	snop  }
0x1fd: {  	v19 =	vld [tilespmem:s22+$0x1BAF0]  }
0x1fe: {  	v20 =	vld [tilespmem:s22+$0x1BAB0]  }
0x1ff: {  	v21 =	vld [tilespmem:s22+$0x1BAD0]  }
0x200: {  	v3 =	vld.idx.msk [tilespmem:v3+s2+$0x0], $0xffff  }
0x201: {  	v12 =	vadd.f32 v12, v14;
	v13 =	vadd.f32 v13, v15;
	v9 =	vand.u32 $0xFFFF0000, v9;
	v2 =	vld.idx.msk [tilespmem:v2+s2+$0x0], $0xffff  }
0x202: {  	v43 =	vshll.u32 v5, $0x10;
	v42 =	vadd.f32 v18, v16;
	v9 =	vadd.f32 v9, v17;
	v4 =	vld.idx.msk [tilespmem:v4+s2+$0x0], $0xffff  }
0x203: {  	v44 =	vand.u32 $0xFFFF0000, v5;
	v6 =	vadd.f32 v6, v12;
	v11 =	vadd.f32 v11, v13;
	v8 =	vld.idx.msk [tilespmem:v8+s2+$0x0], $0xffff  }
0x204: {  	v46 =	vshll.u32 v7, $0x10;
	v45 =	vadd.f32 v43, v42;
	v5 =	vadd.f32 v44, v9;
	v10 =	vld.idx.msk [tilespmem:v10+s2+$0x0], $0xffff  }
0x205: {  	v47 =	vand.u32 $0xFFFF0000, v7;
	v0 =	vadd.f32 v0, v6;
	v1 =	vadd.f32 v1, v11  }
0x206: {  	v48 =	vadd.f32 v46, v45;
	v5 =	vadd.f32 v47, v5;
	v49 =	vld.idx.msk [tilespmem:v20+s2+$0x0], $0xffff  }
0x207: {  	v50 =	vshll.u32 v2, $0x10;
	v51 =	vshll.u32 v3, $0x10;
	v3 =	vand.u32 $0xFFFF0000, v3  }
0x208: {  	v2 =	vand.u32 $0xFFFF0000, v2;
	v53 =	vshll.u32 v4, $0x10;
	v4 =	vand.u32 $0xFFFF0000, v4;
	v52 =	vld.idx.msk [tilespmem:v21+s2+$0x0], $0xffff  }
0x209: {  	v54 =	vshll.u32 v8, $0x10;
	v8 =	vand.u32 $0xFFFF0000, v8;
	v55 =	vshll.u32 v10, $0x10  }
0x20a: {  	v56 =	vld.idx.msk [tilespmem:v19+s2+$0x0], $0xffff;
	v0 =	vadd.f32 v54, v0;
	v10 =	vand.u32 $0xFFFF0000, v10;
	v7 =	vadd.f32 v55, v48  }
0x20b: {  	v1 =	vadd.f32 v8, v1;
	v5 =	vadd.f32 v10, v5;
	v57 =	vshll.u32 v49, $0x10  }
0x20c: {  	v0 =	vadd.f32 v53, v0;
	v6 =	vand.u32 $0xFFFF0000, v49;
	v7 =	vadd.f32 v57, v7  }
0x20d: {  	v1 =	vadd.f32 v4, v1;
	v59 =	vshll.u32 v52, $0x10;
	v58 =	vadd.f32 v6, v5  }
0x20e: {  	v0 =	vadd.f32 v50, v0;
	v60 =	vand.u32 $0xFFFF0000, v52;
	v5 =	vadd.f32 v59, v7  }
0x20f: {  	v1 =	vadd.f32 v2, v1;
	v62 =	vshll.u32 v56, $0x10;
	v61 =	vadd.f32 v60, v58  }
0x210: {  	v63 =	vand.u32 $0xFFFF0000, v56;
	v0 =	vadd.f32 v51, v0;
	v4 =	vadd.f32 v62, v5  }
.Ltmp8:
0x211: {  	v1 =	vadd.f32 v3, v1;
	v2 =	vadd.f32 v63, v61;
	(pc) =	sbr.rel @p0 .LBB2_2-.Ltmp8, $4  }
0x212: {  	v0 =	vadd.f32 v4, v0  }
0x213: {  	v1 =	vadd.f32 v2, v1  }
0x214: {  	[tilespmem:s21+$0x1EB70] =	vst v0  }
0x215: {  	p1 =	por $0x0, $0x0;
	[tilespmem:s21+$0x1EBF0] =	vst v1;
	s21 =	simm.s32 $0x1  }
0x216: {  	_ =	swait.ge [sflag:s16], $0x3200;
	s20 =	sadd.s32 $0x1, s20  }
0x217: {  	[sflag:s16] =	ssyncset.done $0x0;
	p0 =	sne.s32 s20, s9  }
.Ltmp9:
0x218: {  	[sflag:s16] =	ssyncadd.s32 $0xFFFFCE00;
	(pc) =	sbr.rel @p0 .LBB2_1-.Ltmp9, $4  }
0x219: {  	[hbm4b:s8+s2] =	stream.linear.scatter [tilespmem:s19], [sflag:$0x3], $0x200, $0x38;
	[tilespmem:$0x1ED00] =	vst v63  }
0x21a: {  	_ =	swait.ge [sflag:s12], $0x200  }
0x21b: {  	[sflag:s12] =	ssyncset.done $0x0  }
0x21c: {  	[sflag:s12] =	ssyncadd.s32 $0xFFFFFE00  }
0x21d: {  	_ =	sfence.sel $0x180000  }
0x21e: {  	[bflag:$0x0] =	sbarrier.arrive $0xFFFF  }
0x21f: {  	p0 =	sne.s32 s1, $0x0;
	_ =	strace $0x90000047  }
0x220: {  	s0 =	sadd.s32 @!p0 $0x100000, s0;
	[bflag:$0x2] =	sbarrier.arrive $0xFFFF  }
0x221: {  	[sflag:s0] =	ssyncadd.tile.s32 @!p0 $0x1;
	_ =	shalt  }
.Lfunc_end2:
_tile_overlayer_lowered:
.L_overlay_start_2:
0x222: {  	(tag) =	ssettag $0x2  }
0x223: {  	s0 =	rddreg [dreg:$0x0];
	s2 =	stileid.u32  }
0x224: {  	s1 =	rddreg [dreg:$0x1];
	p0 =	sne.s32 s2, $0x0  }
0x225: {  	s3 =	rddreg [dreg:$0x2];
	[bflag:$0x3] =	sbarrier.arrive $0xFFFF;
	s2 =	simm.s32 @!p0 $0x1C03  }
0x226: {  	[timem:s3], [sflag:s2] =	dma.local @!p0 [hbm:s0], s1  }
0x227: {  	s0 =	simm.s32 @!p0 $0x3  }
0x228: {  	_ =	swait.ge @!p0 [sflag:s0], s1  }
0x229: {  	s1 =	ssub.s32 @!p0 $0x0, s1;
	[sflag:s0] =	ssyncset.done @!p0 $0x0  }
0x22a: {  	[sflag:s0] =	ssyncadd.s32 @!p0 s1  }
0x22b: {  	[bflag:$0x3] =	sbarrier.arrive $0xFFFF  }
0x22c: {  	_ =	shalt  }

</sc_bundles>
